<compile_context>
chip_gen: v7x
topology: tpu7x:2x2x1
jax: 0.10.2.dev20260603
libtpu: 0.0.44.dev20260713+nightly
codegen_flags: <defaults>
</compile_context>

<pallas_src>
import functools

import jax
import jax.numpy as jnp
from jax import lax
from jax.experimental import pallas as pl
from jax.experimental.pallas import tpu as pltpu
from jax.experimental.pallas import tpu_sc as plsc

NUM_RELATIONS = 1000000
EMBEDDING_DIM = 32
BATCH = 4096
FIELDS = 26

_info = plsc.get_sparse_core_info()
_NC, _NS = _info.num_cores, _info.num_subcores
_NW = _NC * _NS
_B = BATCH * FIELDS
_BPW = _B // _NW
_NCH = 8
_CPW = _BPW // _NCH


@functools.partial(
    pl.kernel,
    out_type=jax.ShapeDtypeStruct((_B, EMBEDDING_DIM), jnp.float32),
    mesh=plsc.VectorSubcoreMesh(core_axis_name="c", subcore_axis_name="s"),
    scratch_types=[
        pltpu.VMEM((_BPW,), jnp.int32),
        pltpu.VMEM((_NCH, _CPW, EMBEDDING_DIM), jnp.float32),
        pltpu.SemaphoreType.DMA((_NCH,)),
        pltpu.SemaphoreType.DMA((_NCH,)),
    ],
    compiler_params=pltpu.CompilerParams(use_tc_tiling_on_sc=False),
)
def _gather_kernel(table_hbm, idx_hbm, out_hbm, idx_v, rows_v, gsems, wsems):
    wid = lax.axis_index("s") * _NC + lax.axis_index("c")
    base = wid * _BPW
    pltpu.sync_copy(idx_hbm.at[pl.ds(base, _BPW)], idx_v)
    gh = []
    for i in range(_NCH):
        gh.append(
            pltpu.async_copy(
                table_hbm.at[idx_v.at[pl.ds(i * _CPW, _CPW)]],
                rows_v.at[i],
                gsems.at[i],
            )
        )
    wh = []
    for i in range(_NCH):
        gh[i].wait()
        wh.append(
            pltpu.async_copy(
                rows_v.at[i],
                out_hbm.at[pl.ds(base + i * _CPW, _CPW)],
                wsems.at[i],
            )
        )
    for i in range(_NCH):
        wh[i].wait()


@jax.jit
def kernel(relation_ids, embedding_table):
    flat_ids = relation_ids.reshape(-1).astype(jnp.int32)
    out = _gather_kernel(embedding_table, flat_ids)
    return out.reshape(BATCH, FIELDS, EMBEDDING_DIM)

# --- scband reference (transcript-rebuilt; emitter-appended) ---
"""Pipeline reference for scband-relation-token-rep-17119739642052 (READ-ONLY COPY).

The authoritative reference and input builder live on the scoring server;
editing this copy changes nothing except your own understanding.
"""

import jax, jax.numpy as jnp
import numpy as np

NUM_RELATIONS = 1000000
EMBEDDING_DIM = 32
BATCH = 4096
FIELDS = 26

def setup_inputs(seed: int = 0) -> dict:
    key = jax.random.key(seed)
    k1, k2 = jax.random.split(key)
    relation_ids = jax.random.randint(k1, (BATCH, FIELDS), 0, NUM_RELATIONS, dtype=jnp.int64 if jax.config.jax_enable_x64 else jnp.int32)
    # learned embedding table, initialized like nn.Embedding (N(0,1))
    embedding_table = jax.random.normal(k2, (NUM_RELATIONS, EMBEDDING_DIM), dtype=jnp.float32)
    return {"relation_ids": relation_ids, "embedding_table": embedding_table}

def reference(relation_ids, embedding_table):
    # method == 'onehot': plain embedding lookup, i.e. row gather from the table
    return jnp.take(embedding_table, relation_ids, axis=0)

if __name__ == "__main__":
    import jax
    _d = setup_inputs()
    print(jax.jit(kernel)(*tuple(_d.values())))

</pallas_src>

<mosaic_0001>
#map = affine_map<(d0, d1) -> (0, 0)>
#map1 = affine_map<(d0, d1) -> (0)>
module attributes {stable_mosaic.version = 14 : i64} {
  func.func @_gather_kernel(%arg0: i32, %arg1: i32, %arg2: memref<1000000x32xf32, #tpu.memory_space<hbm>>, %arg3: memref<106496xi32, #tpu.memory_space<hbm>>, %arg4: memref<106496x32xf32, #tpu.memory_space<hbm>>, %arg5: memref<3328xi32, #tpu.memory_space<vmem>>, %arg6: memref<8x416x32xf32, #tpu.memory_space<vmem>>, %arg7: memref<8x!tpu.dma_semaphore, #tpu.memory_space<semaphore_mem>>, %arg8: memref<8x!tpu.dma_semaphore, #tpu.memory_space<semaphore_mem>>) attributes {dimension_semantics = [#tpu.dimension_semantics<core_parallel>, #tpu.dimension_semantics<subcore_parallel>], iteration_bounds = array<i64: 2, 16>, scalar_prefetch = 0 : i64, scratch_operands = 4 : i64, tpu.core_type = #tpu.core_type<sc_vector_subcore>, window_params = [{transform_indices = #map}, {transform_indices = #map1}, {transform_indices = #map}]} {
    %mul3A = arith.constant 2 : i32
    %mul3A_0 = arith.muli %arg1, %mul3A : i32
    %add3A = arith.addi %mul3A_0, %arg0 : i32
    %mul3A_1 = arith.constant 3328 : i32
    %mul3A_2 = arith.muli %add3A, %mul3A_1 : i32
    "tpu.region"() ({
      %run_scoped3A = tpu.sem_alloc : memref<!tpu.dma_semaphore, #tpu.memory_space<semaphore_mem>>
      %dma_start3A_481 = tpu.memref_slice %arg3[%mul3A_2] : memref<106496xi32, #tpu.memory_space<hbm>> -> memref<3328xi32, #tpu.memory_space<hbm>>
      %dma_start3A_482 = tpu.memref_slice %arg3[%mul3A_2] : memref<106496xi32, #tpu.memory_space<hbm>> -> memref<3328xi32, #tpu.memory_space<hbm>>
      tpu.enqueue_dma source(%dma_start3A_482 : memref<3328xi32, #tpu.memory_space<hbm>>) target(%arg5 : memref<3328xi32, #tpu.memory_space<vmem>>) target_semaphore(%run_scoped3A : memref<!tpu.dma_semaphore, #tpu.memory_space<semaphore_mem>>)
      %dma_wait3A_483 = tpu.memref_slice %arg3[%mul3A_2] : memref<106496xi32, #tpu.memory_space<hbm>> -> memref<3328xi32, #tpu.memory_space<hbm>>
      %dma_wait3A_484 = tpu.memref_slice %arg3[%mul3A_2] : memref<106496xi32, #tpu.memory_space<hbm>> -> memref<3328xi32, #tpu.memory_space<hbm>>
      tpu.wait_dma2 semaphore(%run_scoped3A : memref<!tpu.dma_semaphore, #tpu.memory_space<semaphore_mem>>) src(%dma_wait3A_484 : memref<3328xi32, #tpu.memory_space<hbm>>) dst(%arg5 : memref<3328xi32, #tpu.memory_space<vmem>>)
      tpu.yield
    }) : () -> ()
    %dma_start3A = arith.constant 0 : i32
    %dma_start3A_3 = arith.constant 0 : i32
    %dma_start3A_4 = arith.constant 0 : i32
    %dma_start3A_5 = arith.constant 0 : i32
    %dma_start3A_6 = tpu.memref_slice %arg6[%dma_start3A, %dma_start3A_4, %dma_start3A_5] : memref<8x416x32xf32, #tpu.memory_space<vmem>> -> memref<1x416x32xf32, #tpu.memory_space<vmem>>
    %dma_start3A_7 = tpu.memref_squeeze %dma_start3A_6 : memref<1x416x32xf32, #tpu.memory_space<vmem>> -> memref<416x32xf32, #tpu.memory_space<vmem>>
    %dma_start3A_8 = arith.constant 0 : i32
    %dma_start3A_9 = tpu.memref_slice %arg5[%dma_start3A_8] : memref<3328xi32, #tpu.memory_space<vmem>> -> memref<416xi32, #tpu.memory_space<vmem>>
    %dma_start3A_10 = arith.constant 0 : i32
    %dma_start3A_11 = arith.constant 0 : i32
    %dma_start3A_12 = tpu.memref_slice %arg2[%dma_start3A_10, %dma_start3A_11] : memref<1000000x32xf32, #tpu.memory_space<hbm>> -> memref<1000000x32xf32, #tpu.memory_space<hbm>>
    %dma_start3A_13 = tpu.memref_slice %arg7[%dma_start3A_3] : memref<8x!tpu.dma_semaphore, #tpu.memory_space<semaphore_mem>> -> memref<1x!tpu.dma_semaphore, #tpu.memory_space<semaphore_mem>>
    %dma_start3A_14 = tpu.memref_squeeze %dma_start3A_13 : memref<1x!tpu.dma_semaphore, #tpu.memory_space<semaphore_mem>> -> memref<!tpu.dma_semaphore, #tpu.memory_space<semaphore_mem>>
    tpu.enqueue_indirect_dma source(%dma_start3A_12 : memref<1000000x32xf32, #tpu.memory_space<hbm>>) target(%dma_start3A_7 : memref<416x32xf32, #tpu.memory_space<vmem>>) offsets(%dma_start3A_9 : memref<416xi32, #tpu.memory_space<vmem>>) semaphore(%dma_start3A_14 : memref<!tpu.dma_semaphore, #tpu.memory_space<semaphore_mem>>)
    %dma_start3A_15 = arith.constant 1 : i32
    %dma_start3A_16 = arith.constant 1 : i32
    %dma_start3A_17 = arith.constant 0 : i32
    %dma_start3A_18 = arith.constant 0 : i32
    %dma_start3A_19 = tpu.memref_slice %arg6[%dma_start3A_15, %dma_start3A_17, %dma_start3A_18] : memref<8x416x32xf32, #tpu.memory_space<vmem>> -> memref<1x416x32xf32, #tpu.memory_space<vmem>>
    %dma_start3A_20 = tpu.memref_squeeze %dma_start3A_19 : memref<1x416x32xf32, #tpu.memory_space<vmem>> -> memref<416x32xf32, #tpu.memory_space<vmem>>
    %dma_start3A_21 = arith.constant 416 : i32
    %dma_start3A_22 = tpu.memref_slice %arg5[%dma_start3A_21] : memref<3328xi32, #tpu.memory_space<vmem>> -> memref<416xi32, #tpu.memory_space<vmem>>
    %dma_start3A_23 = arith.constant 0 : i32
    %dma_start3A_24 = arith.constant 0 : i32
    %dma_start3A_25 = tpu.memref_slice %arg2[%dma_start3A_23, %dma_start3A_24] : memref<1000000x32xf32, #tpu.memory_space<hbm>> -> memref<1000000x32xf32, #tpu.memory_space<hbm>>
    %dma_start3A_26 = tpu.memref_slice %arg7[%dma_start3A_16] : memref<8x!tpu.dma_semaphore, #tpu.memory_space<semaphore_mem>> -> memref<1x!tpu.dma_semaphore, #tpu.memory_space<semaphore_mem>>
    %dma_start3A_27 = tpu.memref_squeeze %dma_start3A_26 : memref<1x!tpu.dma_semaphore, #tpu.memory_space<semaphore_mem>> -> memref<!tpu.dma_semaphore, #tpu.memory_space<semaphore_mem>>
    tpu.enqueue_indirect_dma source(%dma_start3A_25 : memref<1000000x32xf32, #tpu.memory_space<hbm>>) target(%dma_start3A_20 : memref<416x32xf32, #tpu.memory_space<vmem>>) offsets(%dma_start3A_22 : memref<416xi32, #tpu.memory_space<vmem>>) semaphore(%dma_start3A_27 : memref<!tpu.dma_semaphore, #tpu.memory_space<semaphore_mem>>)
    %dma_start3A_28 = arith.constant 2 : i32
    %dma_start3A_29 = arith.constant 2 : i32
    %dma_start3A_30 = arith.constant 0 : i32
    %dma_start3A_31 = arith.constant 0 : i32
    %dma_start3A_32 = tpu.memref_slice %arg6[%dma_start3A_28, %dma_start3A_30, %dma_start3A_31] : memref<8x416x32xf32, #tpu.memory_space<vmem>> -> memref<1x416x32xf32, #tpu.memory_space<vmem>>
    %dma_start3A_33 = tpu.memref_squeeze %dma_start3A_32 : memref<1x416x32xf32, #tpu.memory_space<vmem>> -> memref<416x32xf32, #tpu.memory_space<vmem>>
    %dma_start3A_34 = arith.constant 832 : i32
    %dma_start3A_35 = tpu.memref_slice %arg5[%dma_start3A_34] : memref<3328xi32, #tpu.memory_space<vmem>> -> memref<416xi32, #tpu.memory_space<vmem>>
    %dma_start3A_36 = arith.constant 0 : i32
    %dma_start3A_37 = arith.constant 0 : i32
    %dma_start3A_38 = tpu.memref_slice %arg2[%dma_start3A_36, %dma_start3A_37] : memref<1000000x32xf32, #tpu.memory_space<hbm>> -> memref<1000000x32xf32, #tpu.memory_space<hbm>>
    %dma_start3A_39 = tpu.memref_slice %arg7[%dma_start3A_29] : memref<8x!tpu.dma_semaphore, #tpu.memory_space<semaphore_mem>> -> memref<1x!tpu.dma_semaphore, #tpu.memory_space<semaphore_mem>>
    %dma_start3A_40 = tpu.memref_squeeze %dma_start3A_39 : memref<1x!tpu.dma_semaphore, #tpu.memory_space<semaphore_mem>> -> memref<!tpu.dma_semaphore, #tpu.memory_space<semaphore_mem>>
    tpu.enqueue_indirect_dma source(%dma_start3A_38 : memref<1000000x32xf32, #tpu.memory_space<hbm>>) target(%dma_start3A_33 : memref<416x32xf32, #tpu.memory_space<vmem>>) offsets(%dma_start3A_35 : memref<416xi32, #tpu.memory_space<vmem>>) semaphore(%dma_start3A_40 : memref<!tpu.dma_semaphore, #tpu.memory_space<semaphore_mem>>)
    %dma_start3A_41 = arith.constant 3 : i32
    %dma_start3A_42 = arith.constant 3 : i32
    %dma_start3A_43 = arith.constant 0 : i32
    %dma_start3A_44 = arith.constant 0 : i32
    %dma_start3A_45 = tpu.memref_slice %arg6[%dma_start3A_41, %dma_start3A_43, %dma_start3A_44] : memref<8x416x32xf32, #tpu.memory_space<vmem>> -> memref<1x416x32xf32, #tpu.memory_space<vmem>>
    %dma_start3A_46 = tpu.memref_squeeze %dma_start3A_45 : memref<1x416x32xf32, #tpu.memory_space<vmem>> -> memref<416x32xf32, #tpu.memory_space<vmem>>
    %dma_start3A_47 = arith.constant 1248 : i32
    %dma_start3A_48 = tpu.memref_slice %arg5[%dma_start3A_47] : memref<3328xi32, #tpu.memory_space<vmem>> -> memref<416xi32, #tpu.memory_space<vmem>>
    %dma_start3A_49 = arith.constant 0 : i32
    %dma_start3A_50 = arith.constant 0 : i32
    %dma_start3A_51 = tpu.memref_slice %arg2[%dma_start3A_49, %dma_start3A_50] : memref<1000000x32xf32, #tpu.memory_space<hbm>> -> memref<1000000x32xf32, #tpu.memory_space<hbm>>
    %dma_start3A_52 = tpu.memref_slice %arg7[%dma_start3A_42] : memref<8x!tpu.dma_semaphore, #tpu.memory_space<semaphore_mem>> -> memref<1x!tpu.dma_semaphore, #tpu.memory_space<semaphore_mem>>
    %dma_start3A_53 = tpu.memref_squeeze %dma_start3A_52 : memref<1x!tpu.dma_semaphore, #tpu.memory_space<semaphore_mem>> -> memref<!tpu.dma_semaphore, #tpu.memory_space<semaphore_mem>>
    tpu.enqueue_indirect_dma source(%dma_start3A_51 : memref<1000000x32xf32, #tpu.memory_space<hbm>>) target(%dma_start3A_46 : memref<416x32xf32, #tpu.memory_space<vmem>>) offsets(%dma_start3A_48 : memref<416xi32, #tpu.memory_space<vmem>>) semaphore(%dma_start3A_53 : memref<!tpu.dma_semaphore, #tpu.memory_space<semaphore_mem>>)
    %dma_start3A_54 = arith.constant 4 : i32
    %dma_start3A_55 = arith.constant 4 : i32
    %dma_start3A_56 = arith.constant 0 : i32
    %dma_start3A_57 = arith.constant 0 : i32
    %dma_start3A_58 = tpu.memref_slice %arg6[%dma_start3A_54, %dma_start3A_56, %dma_start3A_57] : memref<8x416x32xf32, #tpu.memory_space<vmem>> -> memref<1x416x32xf32, #tpu.memory_space<vmem>>
    %dma_start3A_59 = tpu.memref_squeeze %dma_start3A_58 : memref<1x416x32xf32, #tpu.memory_space<vmem>> -> memref<416x32xf32, #tpu.memory_space<vmem>>
    %dma_start3A_60 = arith.constant 1664 : i32
    %dma_start3A_61 = tpu.memref_slice %arg5[%dma_start3A_60] : memref<3328xi32, #tpu.memory_space<vmem>> -> memref<416xi32, #tpu.memory_space<vmem>>
    %dma_start3A_62 = arith.constant 0 : i32
    %dma_start3A_63 = arith.constant 0 : i32
    %dma_start3A_64 = tpu.memref_slice %arg2[%dma_start3A_62, %dma_start3A_63] : memref<1000000x32xf32, #tpu.memory_space<hbm>> -> memref<1000000x32xf32, #tpu.memory_space<hbm>>
    %dma_start3A_65 = tpu.memref_slice %arg7[%dma_start3A_55] : memref<8x!tpu.dma_semaphore, #tpu.memory_space<semaphore_mem>> -> memref<1x!tpu.dma_semaphore, #tpu.memory_space<semaphore_mem>>
    %dma_start3A_66 = tpu.memref_squeeze %dma_start3A_65 : memref<1x!tpu.dma_semaphore, #tpu.memory_space<semaphore_mem>> -> memref<!tpu.dma_semaphore, #tpu.memory_space<semaphore_mem>>
    tpu.enqueue_indirect_dma source(%dma_start3A_64 : memref<1000000x32xf32, #tpu.memory_space<hbm>>) target(%dma_start3A_59 : memref<416x32xf32, #tpu.memory_space<vmem>>) offsets(%dma_start3A_61 : memref<416xi32, #tpu.memory_space<vmem>>) semaphore(%dma_start3A_66 : memref<!tpu.dma_semaphore, #tpu.memory_space<semaphore_mem>>)
    %dma_start3A_67 = arith.constant 5 : i32
    %dma_start3A_68 = arith.constant 5 : i32
    %dma_start3A_69 = arith.constant 0 : i32
    %dma_start3A_70 = arith.constant 0 : i32
    %dma_start3A_71 = tpu.memref_slice %arg6[%dma_start3A_67, %dma_start3A_69, %dma_start3A_70] : memref<8x416x32xf32, #tpu.memory_space<vmem>> -> memref<1x416x32xf32, #tpu.memory_space<vmem>>
    %dma_start3A_72 = tpu.memref_squeeze %dma_start3A_71 : memref<1x416x32xf32, #tpu.memory_space<vmem>> -> memref<416x32xf32, #tpu.memory_space<vmem>>
    %dma_start3A_73 = arith.constant 2080 : i32
    %dma_start3A_74 = tpu.memref_slice %arg5[%dma_start3A_73] : memref<3328xi32, #tpu.memory_space<vmem>> -> memref<416xi32, #tpu.memory_space<vmem>>
    %dma_start3A_75 = arith.constant 0 : i32
    %dma_start3A_76 = arith.constant 0 : i32
    %dma_start3A_77 = tpu.memref_slice %arg2[%dma_start3A_75, %dma_start3A_76] : memref<1000000x32xf32, #tpu.memory_space<hbm>> -> memref<1000000x32xf32, #tpu.memory_space<hbm>>
    %dma_start3A_78 = tpu.memref_slice %arg7[%dma_start3A_68] : memref<8x!tpu.dma_semaphore, #tpu.memory_space<semaphore_mem>> -> memref<1x!tpu.dma_semaphore, #tpu.memory_space<semaphore_mem>>
    %dma_start3A_79 = tpu.memref_squeeze %dma_start3A_78 : memref<1x!tpu.dma_semaphore, #tpu.memory_space<semaphore_mem>> -> memref<!tpu.dma_semaphore, #tpu.memory_space<semaphore_mem>>
    tpu.enqueue_indirect_dma source(%dma_start3A_77 : memref<1000000x32xf32, #tpu.memory_space<hbm>>) target(%dma_start3A_72 : memref<416x32xf32, #tpu.memory_space<vmem>>) offsets(%dma_start3A_74 : memref<416xi32, #tpu.memory_space<vmem>>) semaphore(%dma_start3A_79 : memref<!tpu.dma_semaphore, #tpu.memory_space<semaphore_mem>>)
    %dma_start3A_80 = arith.constant 6 : i32
    %dma_start3A_81 = arith.constant 6 : i32
    %dma_start3A_82 = arith.constant 0 : i32
    %dma_start3A_83 = arith.constant 0 : i32
    %dma_start3A_84 = tpu.memref_slice %arg6[%dma_start3A_80, %dma_start3A_82, %dma_start3A_83] : memref<8x416x32xf32, #tpu.memory_space<vmem>> -> memref<1x416x32xf32, #tpu.memory_space<vmem>>
    %dma_start3A_85 = tpu.memref_squeeze %dma_start3A_84 : memref<1x416x32xf32, #tpu.memory_space<vmem>> -> memref<416x32xf32, #tpu.memory_space<vmem>>
    %dma_start3A_86 = arith.constant 2496 : i32
    %dma_start3A_87 = tpu.memref_slice %arg5[%dma_start3A_86] : memref<3328xi32, #tpu.memory_space<vmem>> -> memref<416xi32, #tpu.memory_space<vmem>>
    %dma_start3A_88 = arith.constant 0 : i32
    %dma_start3A_89 = arith.constant 0 : i32
    %dma_start3A_90 = tpu.memref_slice %arg2[%dma_start3A_88, %dma_start3A_89] : memref<1000000x32xf32, #tpu.memory_space<hbm>> -> memref<1000000x32xf32, #tpu.memory_space<hbm>>
    %dma_start3A_91 = tpu.memref_slice %arg7[%dma_start3A_81] : memref<8x!tpu.dma_semaphore, #tpu.memory_space<semaphore_mem>> -> memref<1x!tpu.dma_semaphore, #tpu.memory_space<semaphore_mem>>
    %dma_start3A_92 = tpu.memref_squeeze %dma_start3A_91 : memref<1x!tpu.dma_semaphore, #tpu.memory_space<semaphore_mem>> -> memref<!tpu.dma_semaphore, #tpu.memory_space<semaphore_mem>>
    tpu.enqueue_indirect_dma source(%dma_start3A_90 : memref<1000000x32xf32, #tpu.memory_space<hbm>>) target(%dma_start3A_85 : memref<416x32xf32, #tpu.memory_space<vmem>>) offsets(%dma_start3A_87 : memref<416xi32, #tpu.memory_space<vmem>>) semaphore(%dma_start3A_92 : memref<!tpu.dma_semaphore, #tpu.memory_space<semaphore_mem>>)
    %dma_start3A_93 = arith.constant 7 : i32
    %dma_start3A_94 = arith.constant 7 : i32
    %dma_start3A_95 = arith.constant 0 : i32
    %dma_start3A_96 = arith.constant 0 : i32
    %dma_start3A_97 = tpu.memref_slice %arg6[%dma_start3A_93, %dma_start3A_95, %dma_start3A_96] : memref<8x416x32xf32, #tpu.memory_space<vmem>> -> memref<1x416x32xf32, #tpu.memory_space<vmem>>
    %dma_start3A_98 = tpu.memref_squeeze %dma_start3A_97 : memref<1x416x32xf32, #tpu.memory_space<vmem>> -> memref<416x32xf32, #tpu.memory_space<vmem>>
    %dma_start3A_99 = arith.constant 2912 : i32
    %dma_start3A_100 = tpu.memref_slice %arg5[%dma_start3A_99] : memref<3328xi32, #tpu.memory_space<vmem>> -> memref<416xi32, #tpu.memory_space<vmem>>
    %dma_start3A_101 = arith.constant 0 : i32
    %dma_start3A_102 = arith.constant 0 : i32
    %dma_start3A_103 = tpu.memref_slice %arg2[%dma_start3A_101, %dma_start3A_102] : memref<1000000x32xf32, #tpu.memory_space<hbm>> -> memref<1000000x32xf32, #tpu.memory_space<hbm>>
    %dma_start3A_104 = tpu.memref_slice %arg7[%dma_start3A_94] : memref<8x!tpu.dma_semaphore, #tpu.memory_space<semaphore_mem>> -> memref<1x!tpu.dma_semaphore, #tpu.memory_space<semaphore_mem>>
    %dma_start3A_105 = tpu.memref_squeeze %dma_start3A_104 : memref<1x!tpu.dma_semaphore, #tpu.memory_space<semaphore_mem>> -> memref<!tpu.dma_semaphore, #tpu.memory_space<semaphore_mem>>
    tpu.enqueue_indirect_dma source(%dma_start3A_103 : memref<1000000x32xf32, #tpu.memory_space<hbm>>) target(%dma_start3A_98 : memref<416x32xf32, #tpu.memory_space<vmem>>) offsets(%dma_start3A_100 : memref<416xi32, #tpu.memory_space<vmem>>) semaphore(%dma_start3A_105 : memref<!tpu.dma_semaphore, #tpu.memory_space<semaphore_mem>>)
    %dma_wait3A = arith.constant 0 : i32
    %dma_wait3A_106 = arith.constant 0 : i32
    %dma_wait3A_107 = arith.constant 0 : i32
    %dma_wait3A_108 = arith.constant 0 : i32
    %dma_wait3A_109 = tpu.memref_slice %arg6[%dma_wait3A, %dma_wait3A_107, %dma_wait3A_108] : memref<8x416x32xf32, #tpu.memory_space<vmem>> -> memref<1x416x32xf32, #tpu.memory_space<vmem>>
    %dma_wait3A_110 = tpu.memref_squeeze %dma_wait3A_109 : memref<1x416x32xf32, #tpu.memory_space<vmem>> -> memref<416x32xf32, #tpu.memory_space<vmem>>
    %dma_wait3A_111 = arith.constant 0 : i32
    %dma_wait3A_112 = tpu.memref_slice %arg5[%dma_wait3A_111] : memref<3328xi32, #tpu.memory_space<vmem>> -> memref<416xi32, #tpu.memory_space<vmem>>
    %dma_wait3A_113 = arith.constant 0 : i32
    %dma_wait3A_114 = arith.constant 0 : i32
    %dma_wait3A_115 = tpu.memref_slice %arg2[%dma_wait3A_113, %dma_wait3A_114] : memref<1000000x32xf32, #tpu.memory_space<hbm>> -> memref<1000000x32xf32, #tpu.memory_space<hbm>>
    %dma_wait3A_116 = tpu.memref_slice %arg7[%dma_wait3A_106] : memref<8x!tpu.dma_semaphore, #tpu.memory_space<semaphore_mem>> -> memref<1x!tpu.dma_semaphore, #tpu.memory_space<semaphore_mem>>
    %dma_wait3A_117 = tpu.memref_squeeze %dma_wait3A_116 : memref<1x!tpu.dma_semaphore, #tpu.memory_space<semaphore_mem>> -> memref<!tpu.dma_semaphore, #tpu.memory_space<semaphore_mem>>
    tpu.wait_indirect_dma semaphore(%dma_wait3A_117 : memref<!tpu.dma_semaphore, #tpu.memory_space<semaphore_mem>>) src(%dma_wait3A_115 : memref<1000000x32xf32, #tpu.memory_space<hbm>>) dst(%dma_wait3A_110 : memref<416x32xf32, #tpu.memory_space<vmem>>)
    %add3A_118 = arith.constant 0 : i32
    %add3A_119 = arith.addi %mul3A_2, %add3A_118 : i32
    %dma_start3A_120 = arith.constant 0 : i32
    %dma_start3A_121 = arith.constant 0 : i32
    %dma_start3A_122 = arith.constant 0 : i32
    %dma_start3A_123 = arith.constant 0 : i32
    %dma_start3A_124 = tpu.memref_slice %arg6[%dma_start3A_120, %dma_start3A_122, %dma_start3A_123] : memref<8x416x32xf32, #tpu.memory_space<vmem>> -> memref<1x416x32xf32, #tpu.memory_space<vmem>>
    %dma_start3A_125 = tpu.memref_squeeze %dma_start3A_124 : memref<1x416x32xf32, #tpu.memory_space<vmem>> -> memref<416x32xf32, #tpu.memory_space<vmem>>
    %dma_start3A_126 = arith.constant 0 : i32
    %dma_start3A_127 = tpu.memref_slice %arg4[%add3A_119, %dma_start3A_126] : memref<106496x32xf32, #tpu.memory_space<hbm>> -> memref<416x32xf32, #tpu.memory_space<hbm>>
    %dma_start3A_128 = tpu.memref_slice %arg8[%dma_start3A_121] : memref<8x!tpu.dma_semaphore, #tpu.memory_space<semaphore_mem>> -> memref<1x!tpu.dma_semaphore, #tpu.memory_space<semaphore_mem>>
    %dma_start3A_129 = tpu.memref_squeeze %dma_start3A_128 : memref<1x!tpu.dma_semaphore, #tpu.memory_space<semaphore_mem>> -> memref<!tpu.dma_semaphore, #tpu.memory_space<semaphore_mem>>
    %dma_start3A_130 = arith.constant 0 : i32
    %dma_start3A_131 = tpu.memref_slice %arg4[%add3A_119, %dma_start3A_130] : memref<106496x32xf32, #tpu.memory_space<hbm>> -> memref<416x32xf32, #tpu.memory_space<hbm>>
    %dma_start3A_132 = arith.constant 0 : i32
    %dma_start3A_133 = arith.constant 0 : i32
    %dma_start3A_134 = tpu.memref_slice %arg6[%dma_start3A_120, %dma_start3A_132, %dma_start3A_133] : memref<8x416x32xf32, #tpu.memory_space<vmem>> -> memref<1x416x32xf32, #tpu.memory_space<vmem>>
    %dma_start3A_135 = tpu.memref_squeeze %dma_start3A_134 : memref<1x416x32xf32, #tpu.memory_space<vmem>> -> memref<416x32xf32, #tpu.memory_space<vmem>>
    tpu.enqueue_dma source(%dma_start3A_135 : memref<416x32xf32, #tpu.memory_space<vmem>>) target(%dma_start3A_131 : memref<416x32xf32, #tpu.memory_space<hbm>>) target_semaphore(%dma_start3A_129 : memref<!tpu.dma_semaphore, #tpu.memory_space<semaphore_mem>>)
    %dma_wait3A_136 = arith.constant 1 : i32
    %dma_wait3A_137 = arith.constant 1 : i32
    %dma_wait3A_138 = arith.constant 0 : i32
    %dma_wait3A_139 = arith.constant 0 : i32
    %dma_wait3A_140 = tpu.memref_slice %arg6[%dma_wait3A_136, %dma_wait3A_138, %dma_wait3A_139] : memref<8x416x32xf32, #tpu.memory_space<vmem>> -> memref<1x416x32xf32, #tpu.memory_space<vmem>>
    %dma_wait3A_141 = tpu.memref_squeeze %dma_wait3A_140 : memref<1x416x32xf32, #tpu.memory_space<vmem>> -> memref<416x32xf32, #tpu.memory_space<vmem>>
    %dma_wait3A_142 = arith.constant 416 : i32
    %dma_wait3A_143 = tpu.memref_slice %arg5[%dma_wait3A_142] : memref<3328xi32, #tpu.memory_space<vmem>> -> memref<416xi32, #tpu.memory_space<vmem>>
    %dma_wait3A_144 = arith.constant 0 : i32
    %dma_wait3A_145 = arith.constant 0 : i32
    %dma_wait3A_146 = tpu.memref_slice %arg2[%dma_wait3A_144, %dma_wait3A_145] : memref<1000000x32xf32, #tpu.memory_space<hbm>> -> memref<1000000x32xf32, #tpu.memory_space<hbm>>
    %dma_wait3A_147 = tpu.memref_slice %arg7[%dma_wait3A_137] : memref<8x!tpu.dma_semaphore, #tpu.memory_space<semaphore_mem>> -> memref<1x!tpu.dma_semaphore, #tpu.memory_space<semaphore_mem>>
    %dma_wait3A_148 = tpu.memref_squeeze %dma_wait3A_147 : memref<1x!tpu.dma_semaphore, #tpu.memory_space<semaphore_mem>> -> memref<!tpu.dma_semaphore, #tpu.memory_space<semaphore_mem>>
    tpu.wait_indirect_dma semaphore(%dma_wait3A_148 : memref<!tpu.dma_semaphore, #tpu.memory_space<semaphore_mem>>) src(%dma_wait3A_146 : memref<1000000x32xf32, #tpu.memory_space<hbm>>) dst(%dma_wait3A_141 : memref<416x32xf32, #tpu.memory_space<vmem>>)
    %add3A_149 = arith.constant 416 : i32
    %add3A_150 = arith.addi %mul3A_2, %add3A_149 : i32
    %dma_start3A_151 = arith.constant 1 : i32
    %dma_start3A_152 = arith.constant 1 : i32
    %dma_start3A_153 = arith.constant 0 : i32
    %dma_start3A_154 = arith.constant 0 : i32
    %dma_start3A_155 = tpu.memref_slice %arg6[%dma_start3A_151, %dma_start3A_153, %dma_start3A_154] : memref<8x416x32xf32, #tpu.memory_space<vmem>> -> memref<1x416x32xf32, #tpu.memory_space<vmem>>
    %dma_start3A_156 = tpu.memref_squeeze %dma_start3A_155 : memref<1x416x32xf32, #tpu.memory_space<vmem>> -> memref<416x32xf32, #tpu.memory_space<vmem>>
    %dma_start3A_157 = arith.constant 0 : i32
    %dma_start3A_158 = tpu.memref_slice %arg4[%add3A_150, %dma_start3A_157] : memref<106496x32xf32, #tpu.memory_space<hbm>> -> memref<416x32xf32, #tpu.memory_space<hbm>>
    %dma_start3A_159 = tpu.memref_slice %arg8[%dma_start3A_152] : memref<8x!tpu.dma_semaphore, #tpu.memory_space<semaphore_mem>> -> memref<1x!tpu.dma_semaphore, #tpu.memory_space<semaphore_mem>>
    %dma_start3A_160 = tpu.memref_squeeze %dma_start3A_159 : memref<1x!tpu.dma_semaphore, #tpu.memory_space<semaphore_mem>> -> memref<!tpu.dma_semaphore, #tpu.memory_space<semaphore_mem>>
    %dma_start3A_161 = arith.constant 0 : i32
    %dma_start3A_162 = tpu.memref_slice %arg4[%add3A_150, %dma_start3A_161] : memref<106496x32xf32, #tpu.memory_space<hbm>> -> memref<416x32xf32, #tpu.memory_space<hbm>>
    %dma_start3A_163 = arith.constant 0 : i32
    %dma_start3A_164 = arith.constant 0 : i32
    %dma_start3A_165 = tpu.memref_slice %arg6[%dma_start3A_151, %dma_start3A_163, %dma_start3A_164] : memref<8x416x32xf32, #tpu.memory_space<vmem>> -> memref<1x416x32xf32, #tpu.memory_space<vmem>>
    %dma_start3A_166 = tpu.memref_squeeze %dma_start3A_165 : memref<1x416x32xf32, #tpu.memory_space<vmem>> -> memref<416x32xf32, #tpu.memory_space<vmem>>
    tpu.enqueue_dma source(%dma_start3A_166 : memref<416x32xf32, #tpu.memory_space<vmem>>) target(%dma_start3A_162 : memref<416x32xf32, #tpu.memory_space<hbm>>) target_semaphore(%dma_start3A_160 : memref<!tpu.dma_semaphore, #tpu.memory_space<semaphore_mem>>)
    %dma_wait3A_167 = arith.constant 2 : i32
    %dma_wait3A_168 = arith.constant 2 : i32
    %dma_wait3A_169 = arith.constant 0 : i32
    %dma_wait3A_170 = arith.constant 0 : i32
    %dma_wait3A_171 = tpu.memref_slice %arg6[%dma_wait3A_167, %dma_wait3A_169, %dma_wait3A_170] : memref<8x416x32xf32, #tpu.memory_space<vmem>> -> memref<1x416x32xf32, #tpu.memory_space<vmem>>
    %dma_wait3A_172 = tpu.memref_squeeze %dma_wait3A_171 : memref<1x416x32xf32, #tpu.memory_space<vmem>> -> memref<416x32xf32, #tpu.memory_space<vmem>>
    %dma_wait3A_173 = arith.constant 832 : i32
    %dma_wait3A_174 = tpu.memref_slice %arg5[%dma_wait3A_173] : memref<3328xi32, #tpu.memory_space<vmem>> -> memref<416xi32, #tpu.memory_space<vmem>>
    %dma_wait3A_175 = arith.constant 0 : i32
    %dma_wait3A_176 = arith.constant 0 : i32
    %dma_wait3A_177 = tpu.memref_slice %arg2[%dma_wait3A_175, %dma_wait3A_176] : memref<1000000x32xf32, #tpu.memory_space<hbm>> -> memref<1000000x32xf32, #tpu.memory_space<hbm>>
    %dma_wait3A_178 = tpu.memref_slice %arg7[%dma_wait3A_168] : memref<8x!tpu.dma_semaphore, #tpu.memory_space<semaphore_mem>> -> memref<1x!tpu.dma_semaphore, #tpu.memory_space<semaphore_mem>>
    %dma_wait3A_179 = tpu.memref_squeeze %dma_wait3A_178 : memref<1x!tpu.dma_semaphore, #tpu.memory_space<semaphore_mem>> -> memref<!tpu.dma_semaphore, #tpu.memory_space<semaphore_mem>>
    tpu.wait_indirect_dma semaphore(%dma_wait3A_179 : memref<!tpu.dma_semaphore, #tpu.memory_space<semaphore_mem>>) src(%dma_wait3A_177 : memref<1000000x32xf32, #tpu.memory_space<hbm>>) dst(%dma_wait3A_172 : memref<416x32xf32, #tpu.memory_space<vmem>>)
    %add3A_180 = arith.constant 832 : i32
    %add3A_181 = arith.addi %mul3A_2, %add3A_180 : i32
    %dma_start3A_182 = arith.constant 2 : i32
    %dma_start3A_183 = arith.constant 2 : i32
    %dma_start3A_184 = arith.constant 0 : i32
    %dma_start3A_185 = arith.constant 0 : i32
    %dma_start3A_186 = tpu.memref_slice %arg6[%dma_start3A_182, %dma_start3A_184, %dma_start3A_185] : memref<8x416x32xf32, #tpu.memory_space<vmem>> -> memref<1x416x32xf32, #tpu.memory_space<vmem>>
    %dma_start3A_187 = tpu.memref_squeeze %dma_start3A_186 : memref<1x416x32xf32, #tpu.memory_space<vmem>> -> memref<416x32xf32, #tpu.memory_space<vmem>>
    %dma_start3A_188 = arith.constant 0 : i32
    %dma_start3A_189 = tpu.memref_slice %arg4[%add3A_181, %dma_start3A_188] : memref<106496x32xf32, #tpu.memory_space<hbm>> -> memref<416x32xf32, #tpu.memory_space<hbm>>
    %dma_start3A_190 = tpu.memref_slice %arg8[%dma_start3A_183] : memref<8x!tpu.dma_semaphore, #tpu.memory_space<semaphore_mem>> -> memref<1x!tpu.dma_semaphore, #tpu.memory_space<semaphore_mem>>
    %dma_start3A_191 = tpu.memref_squeeze %dma_start3A_190 : memref<1x!tpu.dma_semaphore, #tpu.memory_space<semaphore_mem>> -> memref<!tpu.dma_semaphore, #tpu.memory_space<semaphore_mem>>
    %dma_start3A_192 = arith.constant 0 : i32
    %dma_start3A_193 = tpu.memref_slice %arg4[%add3A_181, %dma_start3A_192] : memref<106496x32xf32, #tpu.memory_space<hbm>> -> memref<416x32xf32, #tpu.memory_space<hbm>>
    %dma_start3A_194 = arith.constant 0 : i32
    %dma_start3A_195 = arith.constant 0 : i32
    %dma_start3A_196 = tpu.memref_slice %arg6[%dma_start3A_182, %dma_start3A_194, %dma_start3A_195] : memref<8x416x32xf32, #tpu.memory_space<vmem>> -> memref<1x416x32xf32, #tpu.memory_space<vmem>>
    %dma_start3A_197 = tpu.memref_squeeze %dma_start3A_196 : memref<1x416x32xf32, #tpu.memory_space<vmem>> -> memref<416x32xf32, #tpu.memory_space<vmem>>
    tpu.enqueue_dma source(%dma_start3A_197 : memref<416x32xf32, #tpu.memory_space<vmem>>) target(%dma_start3A_193 : memref<416x32xf32, #tpu.memory_space<hbm>>) target_semaphore(%dma_start3A_191 : memref<!tpu.dma_semaphore, #tpu.memory_space<semaphore_mem>>)
    %dma_wait3A_198 = arith.constant 3 : i32
    %dma_wait3A_199 = arith.constant 3 : i32
    %dma_wait3A_200 = arith.constant 0 : i32
    %dma_wait3A_201 = arith.constant 0 : i32
    %dma_wait3A_202 = tpu.memref_slice %arg6[%dma_wait3A_198, %dma_wait3A_200, %dma_wait3A_201] : memref<8x416x32xf32, #tpu.memory_space<vmem>> -> memref<1x416x32xf32, #tpu.memory_space<vmem>>
    %dma_wait3A_203 = tpu.memref_squeeze %dma_wait3A_202 : memref<1x416x32xf32, #tpu.memory_space<vmem>> -> memref<416x32xf32, #tpu.memory_space<vmem>>
    %dma_wait3A_204 = arith.constant 1248 : i32
    %dma_wait3A_205 = tpu.memref_slice %arg5[%dma_wait3A_204] : memref<3328xi32, #tpu.memory_space<vmem>> -> memref<416xi32, #tpu.memory_space<vmem>>
    %dma_wait3A_206 = arith.constant 0 : i32
    %dma_wait3A_207 = arith.constant 0 : i32
    %dma_wait3A_208 = tpu.memref_slice %arg2[%dma_wait3A_206, %dma_wait3A_207] : memref<1000000x32xf32, #tpu.memory_space<hbm>> -> memref<1000000x32xf32, #tpu.memory_space<hbm>>
    %dma_wait3A_209 = tpu.memref_slice %arg7[%dma_wait3A_199] : memref<8x!tpu.dma_semaphore, #tpu.memory_space<semaphore_mem>> -> memref<1x!tpu.dma_semaphore, #tpu.memory_space<semaphore_mem>>
    %dma_wait3A_210 = tpu.memref_squeeze %dma_wait3A_209 : memref<1x!tpu.dma_semaphore, #tpu.memory_space<semaphore_mem>> -> memref<!tpu.dma_semaphore, #tpu.memory_space<semaphore_mem>>
    tpu.wait_indirect_dma semaphore(%dma_wait3A_210 : memref<!tpu.dma_semaphore, #tpu.memory_space<semaphore_mem>>) src(%dma_wait3A_208 : memref<1000000x32xf32, #tpu.memory_space<hbm>>) dst(%dma_wait3A_203 : memref<416x32xf32, #tpu.memory_space<vmem>>)
    %add3A_211 = arith.constant 1248 : i32
    %add3A_212 = arith.addi %mul3A_2, %add3A_211 : i32
    %dma_start3A_213 = arith.constant 3 : i32
    %dma_start3A_214 = arith.constant 3 : i32
    %dma_start3A_215 = arith.constant 0 : i32
    %dma_start3A_216 = arith.constant 0 : i32
    %dma_start3A_217 = tpu.memref_slice %arg6[%dma_start3A_213, %dma_start3A_215, %dma_start3A_216] : memref<8x416x32xf32, #tpu.memory_space<vmem>> -> memref<1x416x32xf32, #tpu.memory_space<vmem>>
    %dma_start3A_218 = tpu.memref_squeeze %dma_start3A_217 : memref<1x416x32xf32, #tpu.memory_space<vmem>> -> memref<416x32xf32, #tpu.memory_space<vmem>>
    %dma_start3A_219 = arith.constant 0 : i32
    %dma_start3A_220 = tpu.memref_slice %arg4[%add3A_212, %dma_start3A_219] : memref<106496x32xf32, #tpu.memory_space<hbm>> -> memref<416x32xf32, #tpu.memory_space<hbm>>
    %dma_start3A_221 = tpu.memref_slice %arg8[%dma_start3A_214] : memref<8x!tpu.dma_semaphore, #tpu.memory_space<semaphore_mem>> -> memref<1x!tpu.dma_semaphore, #tpu.memory_space<semaphore_mem>>
    %dma_start3A_222 = tpu.memref_squeeze %dma_start3A_221 : memref<1x!tpu.dma_semaphore, #tpu.memory_space<semaphore_mem>> -> memref<!tpu.dma_semaphore, #tpu.memory_space<semaphore_mem>>
    %dma_start3A_223 = arith.constant 0 : i32
    %dma_start3A_224 = tpu.memref_slice %arg4[%add3A_212, %dma_start3A_223] : memref<106496x32xf32, #tpu.memory_space<hbm>> -> memref<416x32xf32, #tpu.memory_space<hbm>>
    %dma_start3A_225 = arith.constant 0 : i32
    %dma_start3A_226 = arith.constant 0 : i32
    %dma_start3A_227 = tpu.memref_slice %arg6[%dma_start3A_213, %dma_start3A_225, %dma_start3A_226] : memref<8x416x32xf32, #tpu.memory_space<vmem>> -> memref<1x416x32xf32, #tpu.memory_space<vmem>>
    %dma_start3A_228 = tpu.memref_squeeze %dma_start3A_227 : memref<1x416x32xf32, #tpu.memory_space<vmem>> -> memref<416x32xf32, #tpu.memory_space<vmem>>
    tpu.enqueue_dma source(%dma_start3A_228 : memref<416x32xf32, #tpu.memory_space<vmem>>) target(%dma_start3A_224 : memref<416x32xf32, #tpu.memory_space<hbm>>) target_semaphore(%dma_start3A_222 : memref<!tpu.dma_semaphore, #tpu.memory_space<semaphore_mem>>)
    %dma_wait3A_229 = arith.constant 4 : i32
    %dma_wait3A_230 = arith.constant 4 : i32
    %dma_wait3A_231 = arith.constant 0 : i32
    %dma_wait3A_232 = arith.constant 0 : i32
    %dma_wait3A_233 = tpu.memref_slice %arg6[%dma_wait3A_229, %dma_wait3A_231, %dma_wait3A_232] : memref<8x416x32xf32, #tpu.memory_space<vmem>> -> memref<1x416x32xf32, #tpu.memory_space<vmem>>
    %dma_wait3A_234 = tpu.memref_squeeze %dma_wait3A_233 : memref<1x416x32xf32, #tpu.memory_space<vmem>> -> memref<416x32xf32, #tpu.memory_space<vmem>>
    %dma_wait3A_235 = arith.constant 1664 : i32
    %dma_wait3A_236 = tpu.memref_slice %arg5[%dma_wait3A_235] : memref<3328xi32, #tpu.memory_space<vmem>> -> memref<416xi32, #tpu.memory_space<vmem>>
    %dma_wait3A_237 = arith.constant 0 : i32
    %dma_wait3A_238 = arith.constant 0 : i32
    %dma_wait3A_239 = tpu.memref_slice %arg2[%dma_wait3A_237, %dma_wait3A_238] : memref<1000000x32xf32, #tpu.memory_space<hbm>> -> memref<1000000x32xf32, #tpu.memory_space<hbm>>
    %dma_wait3A_240 = tpu.memref_slice %arg7[%dma_wait3A_230] : memref<8x!tpu.dma_semaphore, #tpu.memory_space<semaphore_mem>> -> memref<1x!tpu.dma_semaphore, #tpu.memory_space<semaphore_mem>>
    %dma_wait3A_241 = tpu.memref_squeeze %dma_wait3A_240 : memref<1x!tpu.dma_semaphore, #tpu.memory_space<semaphore_mem>> -> memref<!tpu.dma_semaphore, #tpu.memory_space<semaphore_mem>>
    tpu.wait_indirect_dma semaphore(%dma_wait3A_241 : memref<!tpu.dma_semaphore, #tpu.memory_space<semaphore_mem>>) src(%dma_wait3A_239 : memref<1000000x32xf32, #tpu.memory_space<hbm>>) dst(%dma_wait3A_234 : memref<416x32xf32, #tpu.memory_space<vmem>>)
    %add3A_242 = arith.constant 1664 : i32
    %add3A_243 = arith.addi %mul3A_2, %add3A_242 : i32
    %dma_start3A_244 = arith.constant 4 : i32
    %dma_start3A_245 = arith.constant 4 : i32
    %dma_start3A_246 = arith.constant 0 : i32
    %dma_start3A_247 = arith.constant 0 : i32
    %dma_start3A_248 = tpu.memref_slice %arg6[%dma_start3A_244, %dma_start3A_246, %dma_start3A_247] : memref<8x416x32xf32, #tpu.memory_space<vmem>> -> memref<1x416x32xf32, #tpu.memory_space<vmem>>
    %dma_start3A_249 = tpu.memref_squeeze %dma_start3A_248 : memref<1x416x32xf32, #tpu.memory_space<vmem>> -> memref<416x32xf32, #tpu.memory_space<vmem>>
    %dma_start3A_250 = arith.constant 0 : i32
    %dma_start3A_251 = tpu.memref_slice %arg4[%add3A_243, %dma_start3A_250] : memref<106496x32xf32, #tpu.memory_space<hbm>> -> memref<416x32xf32, #tpu.memory_space<hbm>>
    %dma_start3A_252 = tpu.memref_slice %arg8[%dma_start3A_245] : memref<8x!tpu.dma_semaphore, #tpu.memory_space<semaphore_mem>> -> memref<1x!tpu.dma_semaphore, #tpu.memory_space<semaphore_mem>>
    %dma_start3A_253 = tpu.memref_squeeze %dma_start3A_252 : memref<1x!tpu.dma_semaphore, #tpu.memory_space<semaphore_mem>> -> memref<!tpu.dma_semaphore, #tpu.memory_space<semaphore_mem>>
    %dma_start3A_254 = arith.constant 0 : i32
    %dma_start3A_255 = tpu.memref_slice %arg4[%add3A_243, %dma_start3A_254] : memref<106496x32xf32, #tpu.memory_space<hbm>> -> memref<416x32xf32, #tpu.memory_space<hbm>>
    %dma_start3A_256 = arith.constant 0 : i32
    %dma_start3A_257 = arith.constant 0 : i32
    %dma_start3A_258 = tpu.memref_slice %arg6[%dma_start3A_244, %dma_start3A_256, %dma_start3A_257] : memref<8x416x32xf32, #tpu.memory_space<vmem>> -> memref<1x416x32xf32, #tpu.memory_space<vmem>>
    %dma_start3A_259 = tpu.memref_squeeze %dma_start3A_258 : memref<1x416x32xf32, #tpu.memory_space<vmem>> -> memref<416x32xf32, #tpu.memory_space<vmem>>
    tpu.enqueue_dma source(%dma_start3A_259 : memref<416x32xf32, #tpu.memory_space<vmem>>) target(%dma_start3A_255 : memref<416x32xf32, #tpu.memory_space<hbm>>) target_semaphore(%dma_start3A_253 : memref<!tpu.dma_semaphore, #tpu.memory_space<semaphore_mem>>)
    %dma_wait3A_260 = arith.constant 5 : i32
    %dma_wait3A_261 = arith.constant 5 : i32
    %dma_wait3A_262 = arith.constant 0 : i32
    %dma_wait3A_263 = arith.constant 0 : i32
    %dma_wait3A_264 = tpu.memref_slice %arg6[%dma_wait3A_260, %dma_wait3A_262, %dma_wait3A_263] : memref<8x416x32xf32, #tpu.memory_space<vmem>> -> memref<1x416x32xf32, #tpu.memory_space<vmem>>
    %dma_wait3A_265 = tpu.memref_squeeze %dma_wait3A_264 : memref<1x416x32xf32, #tpu.memory_space<vmem>> -> memref<416x32xf32, #tpu.memory_space<vmem>>
    %dma_wait3A_266 = arith.constant 2080 : i32
    %dma_wait3A_267 = tpu.memref_slice %arg5[%dma_wait3A_266] : memref<3328xi32, #tpu.memory_space<vmem>> -> memref<416xi32, #tpu.memory_space<vmem>>
    %dma_wait3A_268 = arith.constant 0 : i32
    %dma_wait3A_269 = arith.constant 0 : i32
    %dma_wait3A_270 = tpu.memref_slice %arg2[%dma_wait3A_268, %dma_wait3A_269] : memref<1000000x32xf32, #tpu.memory_space<hbm>> -> memref<1000000x32xf32, #tpu.memory_space<hbm>>
    %dma_wait3A_271 = tpu.memref_slice %arg7[%dma_wait3A_261] : memref<8x!tpu.dma_semaphore, #tpu.memory_space<semaphore_mem>> -> memref<1x!tpu.dma_semaphore, #tpu.memory_space<semaphore_mem>>
    %dma_wait3A_272 = tpu.memref_squeeze %dma_wait3A_271 : memref<1x!tpu.dma_semaphore, #tpu.memory_space<semaphore_mem>> -> memref<!tpu.dma_semaphore, #tpu.memory_space<semaphore_mem>>
    tpu.wait_indirect_dma semaphore(%dma_wait3A_272 : memref<!tpu.dma_semaphore, #tpu.memory_space<semaphore_mem>>) src(%dma_wait3A_270 : memref<1000000x32xf32, #tpu.memory_space<hbm>>) dst(%dma_wait3A_265 : memref<416x32xf32, #tpu.memory_space<vmem>>)
    %add3A_273 = arith.constant 2080 : i32
    %add3A_274 = arith.addi %mul3A_2, %add3A_273 : i32
    %dma_start3A_275 = arith.constant 5 : i32
    %dma_start3A_276 = arith.constant 5 : i32
    %dma_start3A_277 = arith.constant 0 : i32
    %dma_start3A_278 = arith.constant 0 : i32
    %dma_start3A_279 = tpu.memref_slice %arg6[%dma_start3A_275, %dma_start3A_277, %dma_start3A_278] : memref<8x416x32xf32, #tpu.memory_space<vmem>> -> memref<1x416x32xf32, #tpu.memory_space<vmem>>
    %dma_start3A_280 = tpu.memref_squeeze %dma_start3A_279 : memref<1x416x32xf32, #tpu.memory_space<vmem>> -> memref<416x32xf32, #tpu.memory_space<vmem>>
    %dma_start3A_281 = arith.constant 0 : i32
    %dma_start3A_282 = tpu.memref_slice %arg4[%add3A_274, %dma_start3A_281] : memref<106496x32xf32, #tpu.memory_space<hbm>> -> memref<416x32xf32, #tpu.memory_space<hbm>>
    %dma_start3A_283 = tpu.memref_slice %arg8[%dma_start3A_276] : memref<8x!tpu.dma_semaphore, #tpu.memory_space<semaphore_mem>> -> memref<1x!tpu.dma_semaphore, #tpu.memory_space<semaphore_mem>>
    %dma_start3A_284 = tpu.memref_squeeze %dma_start3A_283 : memref<1x!tpu.dma_semaphore, #tpu.memory_space<semaphore_mem>> -> memref<!tpu.dma_semaphore, #tpu.memory_space<semaphore_mem>>
    %dma_start3A_285 = arith.constant 0 : i32
    %dma_start3A_286 = tpu.memref_slice %arg4[%add3A_274, %dma_start3A_285] : memref<106496x32xf32, #tpu.memory_space<hbm>> -> memref<416x32xf32, #tpu.memory_space<hbm>>
    %dma_start3A_287 = arith.constant 0 : i32
    %dma_start3A_288 = arith.constant 0 : i32
    %dma_start3A_289 = tpu.memref_slice %arg6[%dma_start3A_275, %dma_start3A_287, %dma_start3A_288] : memref<8x416x32xf32, #tpu.memory_space<vmem>> -> memref<1x416x32xf32, #tpu.memory_space<vmem>>
    %dma_start3A_290 = tpu.memref_squeeze %dma_start3A_289 : memref<1x416x32xf32, #tpu.memory_space<vmem>> -> memref<416x32xf32, #tpu.memory_space<vmem>>
    tpu.enqueue_dma source(%dma_start3A_290 : memref<416x32xf32, #tpu.memory_space<vmem>>) target(%dma_start3A_286 : memref<416x32xf32, #tpu.memory_space<hbm>>) target_semaphore(%dma_start3A_284 : memref<!tpu.dma_semaphore, #tpu.memory_space<semaphore_mem>>)
    %dma_wait3A_291 = arith.constant 6 : i32
    %dma_wait3A_292 = arith.constant 6 : i32
    %dma_wait3A_293 = arith.constant 0 : i32
    %dma_wait3A_294 = arith.constant 0 : i32
    %dma_wait3A_295 = tpu.memref_slice %arg6[%dma_wait3A_291, %dma_wait3A_293, %dma_wait3A_294] : memref<8x416x32xf32, #tpu.memory_space<vmem>> -> memref<1x416x32xf32, #tpu.memory_space<vmem>>
    %dma_wait3A_296 = tpu.memref_squeeze %dma_wait3A_295 : memref<1x416x32xf32, #tpu.memory_space<vmem>> -> memref<416x32xf32, #tpu.memory_space<vmem>>
    %dma_wait3A_297 = arith.constant 2496 : i32
    %dma_wait3A_298 = tpu.memref_slice %arg5[%dma_wait3A_297] : memref<3328xi32, #tpu.memory_space<vmem>> -> memref<416xi32, #tpu.memory_space<vmem>>
    %dma_wait3A_299 = arith.constant 0 : i32
    %dma_wait3A_300 = arith.constant 0 : i32
    %dma_wait3A_301 = tpu.memref_slice %arg2[%dma_wait3A_299, %dma_wait3A_300] : memref<1000000x32xf32, #tpu.memory_space<hbm>> -> memref<1000000x32xf32, #tpu.memory_space<hbm>>
    %dma_wait3A_302 = tpu.memref_slice %arg7[%dma_wait3A_292] : memref<8x!tpu.dma_semaphore, #tpu.memory_space<semaphore_mem>> -> memref<1x!tpu.dma_semaphore, #tpu.memory_space<semaphore_mem>>
    %dma_wait3A_303 = tpu.memref_squeeze %dma_wait3A_302 : memref<1x!tpu.dma_semaphore, #tpu.memory_space<semaphore_mem>> -> memref<!tpu.dma_semaphore, #tpu.memory_space<semaphore_mem>>
    tpu.wait_indirect_dma semaphore(%dma_wait3A_303 : memref<!tpu.dma_semaphore, #tpu.memory_space<semaphore_mem>>) src(%dma_wait3A_301 : memref<1000000x32xf32, #tpu.memory_space<hbm>>) dst(%dma_wait3A_296 : memref<416x32xf32, #tpu.memory_space<vmem>>)
    %add3A_304 = arith.constant 2496 : i32
    %add3A_305 = arith.addi %mul3A_2, %add3A_304 : i32
    %dma_start3A_306 = arith.constant 6 : i32
    %dma_start3A_307 = arith.constant 6 : i32
    %dma_start3A_308 = arith.constant 0 : i32
    %dma_start3A_309 = arith.constant 0 : i32
    %dma_start3A_310 = tpu.memref_slice %arg6[%dma_start3A_306, %dma_start3A_308, %dma_start3A_309] : memref<8x416x32xf32, #tpu.memory_space<vmem>> -> memref<1x416x32xf32, #tpu.memory_space<vmem>>
    %dma_start3A_311 = tpu.memref_squeeze %dma_start3A_310 : memref<1x416x32xf32, #tpu.memory_space<vmem>> -> memref<416x32xf32, #tpu.memory_space<vmem>>
    %dma_start3A_312 = arith.constant 0 : i32
    %dma_start3A_313 = tpu.memref_slice %arg4[%add3A_305, %dma_start3A_312] : memref<106496x32xf32, #tpu.memory_space<hbm>> -> memref<416x32xf32, #tpu.memory_space<hbm>>
    %dma_start3A_314 = tpu.memref_slice %arg8[%dma_start3A_307] : memref<8x!tpu.dma_semaphore, #tpu.memory_space<semaphore_mem>> -> memref<1x!tpu.dma_semaphore, #tpu.memory_space<semaphore_mem>>
    %dma_start3A_315 = tpu.memref_squeeze %dma_start3A_314 : memref<1x!tpu.dma_semaphore, #tpu.memory_space<semaphore_mem>> -> memref<!tpu.dma_semaphore, #tpu.memory_space<semaphore_mem>>
    %dma_start3A_316 = arith.constant 0 : i32
    %dma_start3A_317 = tpu.memref_slice %arg4[%add3A_305, %dma_start3A_316] : memref<106496x32xf32, #tpu.memory_space<hbm>> -> memref<416x32xf32, #tpu.memory_space<hbm>>
    %dma_start3A_318 = arith.constant 0 : i32
    %dma_start3A_319 = arith.constant 0 : i32
    %dma_start3A_320 = tpu.memref_slice %arg6[%dma_start3A_306, %dma_start3A_318, %dma_start3A_319] : memref<8x416x32xf32, #tpu.memory_space<vmem>> -> memref<1x416x32xf32, #tpu.memory_space<vmem>>
    %dma_start3A_321 = tpu.memref_squeeze %dma_start3A_320 : memref<1x416x32xf32, #tpu.memory_space<vmem>> -> memref<416x32xf32, #tpu.memory_space<vmem>>
    tpu.enqueue_dma source(%dma_start3A_321 : memref<416x32xf32, #tpu.memory_space<vmem>>) target(%dma_start3A_317 : memref<416x32xf32, #tpu.memory_space<hbm>>) target_semaphore(%dma_start3A_315 : memref<!tpu.dma_semaphore, #tpu.memory_space<semaphore_mem>>)
    %dma_wait3A_322 = arith.constant 7 : i32
    %dma_wait3A_323 = arith.constant 7 : i32
    %dma_wait3A_324 = arith.constant 0 : i32
    %dma_wait3A_325 = arith.constant 0 : i32
    %dma_wait3A_326 = tpu.memref_slice %arg6[%dma_wait3A_322, %dma_wait3A_324, %dma_wait3A_325] : memref<8x416x32xf32, #tpu.memory_space<vmem>> -> memref<1x416x32xf32, #tpu.memory_space<vmem>>
    %dma_wait3A_327 = tpu.memref_squeeze %dma_wait3A_326 : memref<1x416x32xf32, #tpu.memory_space<vmem>> -> memref<416x32xf32, #tpu.memory_space<vmem>>
    %dma_wait3A_328 = arith.constant 2912 : i32
    %dma_wait3A_329 = tpu.memref_slice %arg5[%dma_wait3A_328] : memref<3328xi32, #tpu.memory_space<vmem>> -> memref<416xi32, #tpu.memory_space<vmem>>
    %dma_wait3A_330 = arith.constant 0 : i32
    %dma_wait3A_331 = arith.constant 0 : i32
    %dma_wait3A_332 = tpu.memref_slice %arg2[%dma_wait3A_330, %dma_wait3A_331] : memref<1000000x32xf32, #tpu.memory_space<hbm>> -> memref<1000000x32xf32, #tpu.memory_space<hbm>>
    %dma_wait3A_333 = tpu.memref_slice %arg7[%dma_wait3A_323] : memref<8x!tpu.dma_semaphore, #tpu.memory_space<semaphore_mem>> -> memref<1x!tpu.dma_semaphore, #tpu.memory_space<semaphore_mem>>
    %dma_wait3A_334 = tpu.memref_squeeze %dma_wait3A_333 : memref<1x!tpu.dma_semaphore, #tpu.memory_space<semaphore_mem>> -> memref<!tpu.dma_semaphore, #tpu.memory_space<semaphore_mem>>
    tpu.wait_indirect_dma semaphore(%dma_wait3A_334 : memref<!tpu.dma_semaphore, #tpu.memory_space<semaphore_mem>>) src(%dma_wait3A_332 : memref<1000000x32xf32, #tpu.memory_space<hbm>>) dst(%dma_wait3A_327 : memref<416x32xf32, #tpu.memory_space<vmem>>)
    %add3A_335 = arith.constant 2912 : i32
    %add3A_336 = arith.addi %mul3A_2, %add3A_335 : i32
    %dma_start3A_337 = arith.constant 7 : i32
    %dma_start3A_338 = arith.constant 7 : i32
    %dma_start3A_339 = arith.constant 0 : i32
    %dma_start3A_340 = arith.constant 0 : i32
    %dma_start3A_341 = tpu.memref_slice %arg6[%dma_start3A_337, %dma_start3A_339, %dma_start3A_340] : memref<8x416x32xf32, #tpu.memory_space<vmem>> -> memref<1x416x32xf32, #tpu.memory_space<vmem>>
    %dma_start3A_342 = tpu.memref_squeeze %dma_start3A_341 : memref<1x416x32xf32, #tpu.memory_space<vmem>> -> memref<416x32xf32, #tpu.memory_space<vmem>>
    %dma_start3A_343 = arith.constant 0 : i32
    %dma_start3A_344 = tpu.memref_slice %arg4[%add3A_336, %dma_start3A_343] : memref<106496x32xf32, #tpu.memory_space<hbm>> -> memref<416x32xf32, #tpu.memory_space<hbm>>
    %dma_start3A_345 = tpu.memref_slice %arg8[%dma_start3A_338] : memref<8x!tpu.dma_semaphore, #tpu.memory_space<semaphore_mem>> -> memref<1x!tpu.dma_semaphore, #tpu.memory_space<semaphore_mem>>
    %dma_start3A_346 = tpu.memref_squeeze %dma_start3A_345 : memref<1x!tpu.dma_semaphore, #tpu.memory_space<semaphore_mem>> -> memref<!tpu.dma_semaphore, #tpu.memory_space<semaphore_mem>>
    %dma_start3A_347 = arith.constant 0 : i32
    %dma_start3A_348 = tpu.memref_slice %arg4[%add3A_336, %dma_start3A_347] : memref<106496x32xf32, #tpu.memory_space<hbm>> -> memref<416x32xf32, #tpu.memory_space<hbm>>
    %dma_start3A_349 = arith.constant 0 : i32
    %dma_start3A_350 = arith.constant 0 : i32
    %dma_start3A_351 = tpu.memref_slice %arg6[%dma_start3A_337, %dma_start3A_349, %dma_start3A_350] : memref<8x416x32xf32, #tpu.memory_space<vmem>> -> memref<1x416x32xf32, #tpu.memory_space<vmem>>
    %dma_start3A_352 = tpu.memref_squeeze %dma_start3A_351 : memref<1x416x32xf32, #tpu.memory_space<vmem>> -> memref<416x32xf32, #tpu.memory_space<vmem>>
    tpu.enqueue_dma source(%dma_start3A_352 : memref<416x32xf32, #tpu.memory_space<vmem>>) target(%dma_start3A_348 : memref<416x32xf32, #tpu.memory_space<hbm>>) target_semaphore(%dma_start3A_346 : memref<!tpu.dma_semaphore, #tpu.memory_space<semaphore_mem>>)
    %dma_wait3A_353 = arith.constant 0 : i32
    %dma_wait3A_354 = arith.constant 0 : i32
    %dma_wait3A_355 = arith.constant 0 : i32
    %dma_wait3A_356 = arith.constant 0 : i32
    %dma_wait3A_357 = tpu.memref_slice %arg6[%dma_wait3A_353, %dma_wait3A_355, %dma_wait3A_356] : memref<8x416x32xf32, #tpu.memory_space<vmem>> -> memref<1x416x32xf32, #tpu.memory_space<vmem>>
    %dma_wait3A_358 = tpu.memref_squeeze %dma_wait3A_357 : memref<1x416x32xf32, #tpu.memory_space<vmem>> -> memref<416x32xf32, #tpu.memory_space<vmem>>
    %dma_wait3A_359 = arith.constant 0 : i32
    %dma_wait3A_360 = tpu.memref_slice %arg4[%add3A_119, %dma_wait3A_359] : memref<106496x32xf32, #tpu.memory_space<hbm>> -> memref<416x32xf32, #tpu.memory_space<hbm>>
    %dma_wait3A_361 = tpu.memref_slice %arg8[%dma_wait3A_354] : memref<8x!tpu.dma_semaphore, #tpu.memory_space<semaphore_mem>> -> memref<1x!tpu.dma_semaphore, #tpu.memory_space<semaphore_mem>>
    %dma_wait3A_362 = tpu.memref_squeeze %dma_wait3A_361 : memref<1x!tpu.dma_semaphore, #tpu.memory_space<semaphore_mem>> -> memref<!tpu.dma_semaphore, #tpu.memory_space<semaphore_mem>>
    %dma_wait3A_363 = arith.constant 0 : i32
    %dma_wait3A_364 = tpu.memref_slice %arg4[%add3A_119, %dma_wait3A_363] : memref<106496x32xf32, #tpu.memory_space<hbm>> -> memref<416x32xf32, #tpu.memory_space<hbm>>
    %dma_wait3A_365 = arith.constant 0 : i32
    %dma_wait3A_366 = arith.constant 0 : i32
    %dma_wait3A_367 = tpu.memref_slice %arg6[%dma_wait3A_353, %dma_wait3A_365, %dma_wait3A_366] : memref<8x416x32xf32, #tpu.memory_space<vmem>> -> memref<1x416x32xf32, #tpu.memory_space<vmem>>
    %dma_wait3A_368 = tpu.memref_squeeze %dma_wait3A_367 : memref<1x416x32xf32, #tpu.memory_space<vmem>> -> memref<416x32xf32, #tpu.memory_space<vmem>>
    tpu.wait_dma2 semaphore(%dma_wait3A_362 : memref<!tpu.dma_semaphore, #tpu.memory_space<semaphore_mem>>) src(%dma_wait3A_368 : memref<416x32xf32, #tpu.memory_space<vmem>>) dst(%dma_wait3A_364 : memref<416x32xf32, #tpu.memory_space<hbm>>)
    %dma_wait3A_369 = arith.constant 1 : i32
    %dma_wait3A_370 = arith.constant 1 : i32
    %dma_wait3A_371 = arith.constant 0 : i32
    %dma_wait3A_372 = arith.constant 0 : i32
    %dma_wait3A_373 = tpu.memref_slice %arg6[%dma_wait3A_369, %dma_wait3A_371, %dma_wait3A_372] : memref<8x416x32xf32, #tpu.memory_space<vmem>> -> memref<1x416x32xf32, #tpu.memory_space<vmem>>
    %dma_wait3A_374 = tpu.memref_squeeze %dma_wait3A_373 : memref<1x416x32xf32, #tpu.memory_space<vmem>> -> memref<416x32xf32, #tpu.memory_space<vmem>>
    %dma_wait3A_375 = arith.constant 0 : i32
    %dma_wait3A_376 = tpu.memref_slice %arg4[%add3A_150, %dma_wait3A_375] : memref<106496x32xf32, #tpu.memory_space<hbm>> -> memref<416x32xf32, #tpu.memory_space<hbm>>
    %dma_wait3A_377 = tpu.memref_slice %arg8[%dma_wait3A_370] : memref<8x!tpu.dma_semaphore, #tpu.memory_space<semaphore_mem>> -> memref<1x!tpu.dma_semaphore, #tpu.memory_space<semaphore_mem>>
    %dma_wait3A_378 = tpu.memref_squeeze %dma_wait3A_377 : memref<1x!tpu.dma_semaphore, #tpu.memory_space<semaphore_mem>> -> memref<!tpu.dma_semaphore, #tpu.memory_space<semaphore_mem>>
    %dma_wait3A_379 = arith.constant 0 : i32
    %dma_wait3A_380 = tpu.memref_slice %arg4[%add3A_150, %dma_wait3A_379] : memref<106496x32xf32, #tpu.memory_space<hbm>> -> memref<416x32xf32, #tpu.memory_space<hbm>>
    %dma_wait3A_381 = arith.constant 0 : i32
    %dma_wait3A_382 = arith.constant 0 : i32
    %dma_wait3A_383 = tpu.memref_slice %arg6[%dma_wait3A_369, %dma_wait3A_381, %dma_wait3A_382] : memref<8x416x32xf32, #tpu.memory_space<vmem>> -> memref<1x416x32xf32, #tpu.memory_space<vmem>>
    %dma_wait3A_384 = tpu.memref_squeeze %dma_wait3A_383 : memref<1x416x32xf32, #tpu.memory_space<vmem>> -> memref<416x32xf32, #tpu.memory_space<vmem>>
    tpu.wait_dma2 semaphore(%dma_wait3A_378 : memref<!tpu.dma_semaphore, #tpu.memory_space<semaphore_mem>>) src(%dma_wait3A_384 : memref<416x32xf32, #tpu.memory_space<vmem>>) dst(%dma_wait3A_380 : memref<416x32xf32, #tpu.memory_space<hbm>>)
    %dma_wait3A_385 = arith.constant 2 : i32
    %dma_wait3A_386 = arith.constant 2 : i32
    %dma_wait3A_387 = arith.constant 0 : i32
    %dma_wait3A_388 = arith.constant 0 : i32
    %dma_wait3A_389 = tpu.memref_slice %arg6[%dma_wait3A_385, %dma_wait3A_387, %dma_wait3A_388] : memref<8x416x32xf32, #tpu.memory_space<vmem>> -> memref<1x416x32xf32, #tpu.memory_space<vmem>>
    %dma_wait3A_390 = tpu.memref_squeeze %dma_wait3A_389 : memref<1x416x32xf32, #tpu.memory_space<vmem>> -> memref<416x32xf32, #tpu.memory_space<vmem>>
    %dma_wait3A_391 = arith.constant 0 : i32
    %dma_wait3A_392 = tpu.memref_slice %arg4[%add3A_181, %dma_wait3A_391] : memref<106496x32xf32, #tpu.memory_space<hbm>> -> memref<416x32xf32, #tpu.memory_space<hbm>>
    %dma_wait3A_393 = tpu.memref_slice %arg8[%dma_wait3A_386] : memref<8x!tpu.dma_semaphore, #tpu.memory_space<semaphore_mem>> -> memref<1x!tpu.dma_semaphore, #tpu.memory_space<semaphore_mem>>
    %dma_wait3A_394 = tpu.memref_squeeze %dma_wait3A_393 : memref<1x!tpu.dma_semaphore, #tpu.memory_space<semaphore_mem>> -> memref<!tpu.dma_semaphore, #tpu.memory_space<semaphore_mem>>
    %dma_wait3A_395 = arith.constant 0 : i32
    %dma_wait3A_396 = tpu.memref_slice %arg4[%add3A_181, %dma_wait3A_395] : memref<106496x32xf32, #tpu.memory_space<hbm>> -> memref<416x32xf32, #tpu.memory_space<hbm>>
    %dma_wait3A_397 = arith.constant 0 : i32
    %dma_wait3A_398 = arith.constant 0 : i32
    %dma_wait3A_399 = tpu.memref_slice %arg6[%dma_wait3A_385, %dma_wait3A_397, %dma_wait3A_398] : memref<8x416x32xf32, #tpu.memory_space<vmem>> -> memref<1x416x32xf32, #tpu.memory_space<vmem>>
    %dma_wait3A_400 = tpu.memref_squeeze %dma_wait3A_399 : memref<1x416x32xf32, #tpu.memory_space<vmem>> -> memref<416x32xf32, #tpu.memory_space<vmem>>
    tpu.wait_dma2 semaphore(%dma_wait3A_394 : memref<!tpu.dma_semaphore, #tpu.memory_space<semaphore_mem>>) src(%dma_wait3A_400 : memref<416x32xf32, #tpu.memory_space<vmem>>) dst(%dma_wait3A_396 : memref<416x32xf32, #tpu.memory_space<hbm>>)
    %dma_wait3A_401 = arith.constant 3 : i32
    %dma_wait3A_402 = arith.constant 3 : i32
    %dma_wait3A_403 = arith.constant 0 : i32
    %dma_wait3A_404 = arith.constant 0 : i32
    %dma_wait3A_405 = tpu.memref_slice %arg6[%dma_wait3A_401, %dma_wait3A_403, %dma_wait3A_404] : memref<8x416x32xf32, #tpu.memory_space<vmem>> -> memref<1x416x32xf32, #tpu.memory_space<vmem>>
    %dma_wait3A_406 = tpu.memref_squeeze %dma_wait3A_405 : memref<1x416x32xf32, #tpu.memory_space<vmem>> -> memref<416x32xf32, #tpu.memory_space<vmem>>
    %dma_wait3A_407 = arith.constant 0 : i32
    %dma_wait3A_408 = tpu.memref_slice %arg4[%add3A_212, %dma_wait3A_407] : memref<106496x32xf32, #tpu.memory_space<hbm>> -> memref<416x32xf32, #tpu.memory_space<hbm>>
    %dma_wait3A_409 = tpu.memref_slice %arg8[%dma_wait3A_402] : memref<8x!tpu.dma_semaphore, #tpu.memory_space<semaphore_mem>> -> memref<1x!tpu.dma_semaphore, #tpu.memory_space<semaphore_mem>>
    %dma_wait3A_410 = tpu.memref_squeeze %dma_wait3A_409 : memref<1x!tpu.dma_semaphore, #tpu.memory_space<semaphore_mem>> -> memref<!tpu.dma_semaphore, #tpu.memory_space<semaphore_mem>>
    %dma_wait3A_411 = arith.constant 0 : i32
    %dma_wait3A_412 = tpu.memref_slice %arg4[%add3A_212, %dma_wait3A_411] : memref<106496x32xf32, #tpu.memory_space<hbm>> -> memref<416x32xf32, #tpu.memory_space<hbm>>
    %dma_wait3A_413 = arith.constant 0 : i32
    %dma_wait3A_414 = arith.constant 0 : i32
    %dma_wait3A_415 = tpu.memref_slice %arg6[%dma_wait3A_401, %dma_wait3A_413, %dma_wait3A_414] : memref<8x416x32xf32, #tpu.memory_space<vmem>> -> memref<1x416x32xf32, #tpu.memory_space<vmem>>
    %dma_wait3A_416 = tpu.memref_squeeze %dma_wait3A_415 : memref<1x416x32xf32, #tpu.memory_space<vmem>> -> memref<416x32xf32, #tpu.memory_space<vmem>>
    tpu.wait_dma2 semaphore(%dma_wait3A_410 : memref<!tpu.dma_semaphore, #tpu.memory_space<semaphore_mem>>) src(%dma_wait3A_416 : memref<416x32xf32, #tpu.memory_space<vmem>>) dst(%dma_wait3A_412 : memref<416x32xf32, #tpu.memory_space<hbm>>)
    %dma_wait3A_417 = arith.constant 4 : i32
    %dma_wait3A_418 = arith.constant 4 : i32
    %dma_wait3A_419 = arith.constant 0 : i32
    %dma_wait3A_420 = arith.constant 0 : i32
    %dma_wait3A_421 = tpu.memref_slice %arg6[%dma_wait3A_417, %dma_wait3A_419, %dma_wait3A_420] : memref<8x416x32xf32, #tpu.memory_space<vmem>> -> memref<1x416x32xf32, #tpu.memory_space<vmem>>
    %dma_wait3A_422 = tpu.memref_squeeze %dma_wait3A_421 : memref<1x416x32xf32, #tpu.memory_space<vmem>> -> memref<416x32xf32, #tpu.memory_space<vmem>>
    %dma_wait3A_423 = arith.constant 0 : i32
    %dma_wait3A_424 = tpu.memref_slice %arg4[%add3A_243, %dma_wait3A_423] : memref<106496x32xf32, #tpu.memory_space<hbm>> -> memref<416x32xf32, #tpu.memory_space<hbm>>
    %dma_wait3A_425 = tpu.memref_slice %arg8[%dma_wait3A_418] : memref<8x!tpu.dma_semaphore, #tpu.memory_space<semaphore_mem>> -> memref<1x!tpu.dma_semaphore, #tpu.memory_space<semaphore_mem>>
    %dma_wait3A_426 = tpu.memref_squeeze %dma_wait3A_425 : memref<1x!tpu.dma_semaphore, #tpu.memory_space<semaphore_mem>> -> memref<!tpu.dma_semaphore, #tpu.memory_space<semaphore_mem>>
    %dma_wait3A_427 = arith.constant 0 : i32
    %dma_wait3A_428 = tpu.memref_slice %arg4[%add3A_243, %dma_wait3A_427] : memref<106496x32xf32, #tpu.memory_space<hbm>> -> memref<416x32xf32, #tpu.memory_space<hbm>>
    %dma_wait3A_429 = arith.constant 0 : i32
    %dma_wait3A_430 = arith.constant 0 : i32
    %dma_wait3A_431 = tpu.memref_slice %arg6[%dma_wait3A_417, %dma_wait3A_429, %dma_wait3A_430] : memref<8x416x32xf32, #tpu.memory_space<vmem>> -> memref<1x416x32xf32, #tpu.memory_space<vmem>>
    %dma_wait3A_432 = tpu.memref_squeeze %dma_wait3A_431 : memref<1x416x32xf32, #tpu.memory_space<vmem>> -> memref<416x32xf32, #tpu.memory_space<vmem>>
    tpu.wait_dma2 semaphore(%dma_wait3A_426 : memref<!tpu.dma_semaphore, #tpu.memory_space<semaphore_mem>>) src(%dma_wait3A_432 : memref<416x32xf32, #tpu.memory_space<vmem>>) dst(%dma_wait3A_428 : memref<416x32xf32, #tpu.memory_space<hbm>>)
    %dma_wait3A_433 = arith.constant 5 : i32
    %dma_wait3A_434 = arith.constant 5 : i32
    %dma_wait3A_435 = arith.constant 0 : i32
    %dma_wait3A_436 = arith.constant 0 : i32
    %dma_wait3A_437 = tpu.memref_slice %arg6[%dma_wait3A_433, %dma_wait3A_435, %dma_wait3A_436] : memref<8x416x32xf32, #tpu.memory_space<vmem>> -> memref<1x416x32xf32, #tpu.memory_space<vmem>>
    %dma_wait3A_438 = tpu.memref_squeeze %dma_wait3A_437 : memref<1x416x32xf32, #tpu.memory_space<vmem>> -> memref<416x32xf32, #tpu.memory_space<vmem>>
    %dma_wait3A_439 = arith.constant 0 : i32
    %dma_wait3A_440 = tpu.memref_slice %arg4[%add3A_274, %dma_wait3A_439] : memref<106496x32xf32, #tpu.memory_space<hbm>> -> memref<416x32xf32, #tpu.memory_space<hbm>>
    %dma_wait3A_441 = tpu.memref_slice %arg8[%dma_wait3A_434] : memref<8x!tpu.dma_semaphore, #tpu.memory_space<semaphore_mem>> -> memref<1x!tpu.dma_semaphore, #tpu.memory_space<semaphore_mem>>
    %dma_wait3A_442 = tpu.memref_squeeze %dma_wait3A_441 : memref<1x!tpu.dma_semaphore, #tpu.memory_space<semaphore_mem>> -> memref<!tpu.dma_semaphore, #tpu.memory_space<semaphore_mem>>
    %dma_wait3A_443 = arith.constant 0 : i32
    %dma_wait3A_444 = tpu.memref_slice %arg4[%add3A_274, %dma_wait3A_443] : memref<106496x32xf32, #tpu.memory_space<hbm>> -> memref<416x32xf32, #tpu.memory_space<hbm>>
    %dma_wait3A_445 = arith.constant 0 : i32
    %dma_wait3A_446 = arith.constant 0 : i32
    %dma_wait3A_447 = tpu.memref_slice %arg6[%dma_wait3A_433, %dma_wait3A_445, %dma_wait3A_446] : memref<8x416x32xf32, #tpu.memory_space<vmem>> -> memref<1x416x32xf32, #tpu.memory_space<vmem>>
    %dma_wait3A_448 = tpu.memref_squeeze %dma_wait3A_447 : memref<1x416x32xf32, #tpu.memory_space<vmem>> -> memref<416x32xf32, #tpu.memory_space<vmem>>
    tpu.wait_dma2 semaphore(%dma_wait3A_442 : memref<!tpu.dma_semaphore, #tpu.memory_space<semaphore_mem>>) src(%dma_wait3A_448 : memref<416x32xf32, #tpu.memory_space<vmem>>) dst(%dma_wait3A_444 : memref<416x32xf32, #tpu.memory_space<hbm>>)
    %dma_wait3A_449 = arith.constant 6 : i32
    %dma_wait3A_450 = arith.constant 6 : i32
    %dma_wait3A_451 = arith.constant 0 : i32
    %dma_wait3A_452 = arith.constant 0 : i32
    %dma_wait3A_453 = tpu.memref_slice %arg6[%dma_wait3A_449, %dma_wait3A_451, %dma_wait3A_452] : memref<8x416x32xf32, #tpu.memory_space<vmem>> -> memref<1x416x32xf32, #tpu.memory_space<vmem>>
    %dma_wait3A_454 = tpu.memref_squeeze %dma_wait3A_453 : memref<1x416x32xf32, #tpu.memory_space<vmem>> -> memref<416x32xf32, #tpu.memory_space<vmem>>
    %dma_wait3A_455 = arith.constant 0 : i32
    %dma_wait3A_456 = tpu.memref_slice %arg4[%add3A_305, %dma_wait3A_455] : memref<106496x32xf32, #tpu.memory_space<hbm>> -> memref<416x32xf32, #tpu.memory_space<hbm>>
    %dma_wait3A_457 = tpu.memref_slice %arg8[%dma_wait3A_450] : memref<8x!tpu.dma_semaphore, #tpu.memory_space<semaphore_mem>> -> memref<1x!tpu.dma_semaphore, #tpu.memory_space<semaphore_mem>>
    %dma_wait3A_458 = tpu.memref_squeeze %dma_wait3A_457 : memref<1x!tpu.dma_semaphore, #tpu.memory_space<semaphore_mem>> -> memref<!tpu.dma_semaphore, #tpu.memory_space<semaphore_mem>>
    %dma_wait3A_459 = arith.constant 0 : i32
    %dma_wait3A_460 = tpu.memref_slice %arg4[%add3A_305, %dma_wait3A_459] : memref<106496x32xf32, #tpu.memory_space<hbm>> -> memref<416x32xf32, #tpu.memory_space<hbm>>
    %dma_wait3A_461 = arith.constant 0 : i32
    %dma_wait3A_462 = arith.constant 0 : i32
    %dma_wait3A_463 = tpu.memref_slice %arg6[%dma_wait3A_449, %dma_wait3A_461, %dma_wait3A_462] : memref<8x416x32xf32, #tpu.memory_space<vmem>> -> memref<1x416x32xf32, #tpu.memory_space<vmem>>
    %dma_wait3A_464 = tpu.memref_squeeze %dma_wait3A_463 : memref<1x416x32xf32, #tpu.memory_space<vmem>> -> memref<416x32xf32, #tpu.memory_space<vmem>>
    tpu.wait_dma2 semaphore(%dma_wait3A_458 : memref<!tpu.dma_semaphore, #tpu.memory_space<semaphore_mem>>) src(%dma_wait3A_464 : memref<416x32xf32, #tpu.memory_space<vmem>>) dst(%dma_wait3A_460 : memref<416x32xf32, #tpu.memory_space<hbm>>)
    %dma_wait3A_465 = arith.constant 7 : i32
    %dma_wait3A_466 = arith.constant 7 : i32
    %dma_wait3A_467 = arith.constant 0 : i32
    %dma_wait3A_468 = arith.constant 0 : i32
    %dma_wait3A_469 = tpu.memref_slice %arg6[%dma_wait3A_465, %dma_wait3A_467, %dma_wait3A_468] : memref<8x416x32xf32, #tpu.memory_space<vmem>> -> memref<1x416x32xf32, #tpu.memory_space<vmem>>
    %dma_wait3A_470 = tpu.memref_squeeze %dma_wait3A_469 : memref<1x416x32xf32, #tpu.memory_space<vmem>> -> memref<416x32xf32, #tpu.memory_space<vmem>>
    %dma_wait3A_471 = arith.constant 0 : i32
    %dma_wait3A_472 = tpu.memref_slice %arg4[%add3A_336, %dma_wait3A_471] : memref<106496x32xf32, #tpu.memory_space<hbm>> -> memref<416x32xf32, #tpu.memory_space<hbm>>
    %dma_wait3A_473 = tpu.memref_slice %arg8[%dma_wait3A_466] : memref<8x!tpu.dma_semaphore, #tpu.memory_space<semaphore_mem>> -> memref<1x!tpu.dma_semaphore, #tpu.memory_space<semaphore_mem>>
    %dma_wait3A_474 = tpu.memref_squeeze %dma_wait3A_473 : memref<1x!tpu.dma_semaphore, #tpu.memory_space<semaphore_mem>> -> memref<!tpu.dma_semaphore, #tpu.memory_space<semaphore_mem>>
    %dma_wait3A_475 = arith.constant 0 : i32
    %dma_wait3A_476 = tpu.memref_slice %arg4[%add3A_336, %dma_wait3A_475] : memref<106496x32xf32, #tpu.memory_space<hbm>> -> memref<416x32xf32, #tpu.memory_space<hbm>>
    %dma_wait3A_477 = arith.constant 0 : i32
    %dma_wait3A_478 = arith.constant 0 : i32
    %dma_wait3A_479 = tpu.memref_slice %arg6[%dma_wait3A_465, %dma_wait3A_477, %dma_wait3A_478] : memref<8x416x32xf32, #tpu.memory_space<vmem>> -> memref<1x416x32xf32, #tpu.memory_space<vmem>>
    %dma_wait3A_480 = tpu.memref_squeeze %dma_wait3A_479 : memref<1x416x32xf32, #tpu.memory_space<vmem>> -> memref<416x32xf32, #tpu.memory_space<vmem>>
    tpu.wait_dma2 semaphore(%dma_wait3A_474 : memref<!tpu.dma_semaphore, #tpu.memory_space<semaphore_mem>>) src(%dma_wait3A_480 : memref<416x32xf32, #tpu.memory_space<vmem>>) dst(%dma_wait3A_476 : memref<416x32xf32, #tpu.memory_space<hbm>>)
    return
  }
}

</mosaic_0001>

<sc_bundles>
// kernel: kernel.3.cloned.1.call-start
scs
__scs_entry_jumppad:
0x0: {  	(pc) =	sbr.rel $0x88, $3  }
0x1: {  	(tag) =	ssettag $0x0;
	lr =	simm.s32 $0x1  }
0x2: {  	[smem:$0x3F9F] =	sst lr;
	_ =	strace $0xD0000000  }
0x3: {  	_ = 	snop  }
0x4: {  	_ = 	snop  }
0x5: {  	_ = 	snop  }
0x6: {  	_ = 	snop  }
0x7: {  	_ = 	snop  }
__scs_overlays_trampoline_lowered:
0x8: {  	[smem:$0x3FAE] =	sst s0  }
0x9: {  	[smem:$0x3FAF] =	sst s1  }
0xa: {  	[smem:$0x3FB0] =	sst s2  }
0xb: {  	[smem:$0x3FB1] =	sst s3  }
0xc: {  	[smem:$0x3FB2] =	sst s4  }
0xd: {  	[smem:$0x3FB3] =	sst s5  }
0xe: {  	[smem:$0x3FB4] =	sst s6  }
0xf: {  	[smem:$0x3FB5] =	sst s7  }
0x10: {  	[smem:$0x3FB6] =	sst s8  }
0x11: {  	[smem:$0x3FB7] =	sst s9;
	s0 =	simm.s32 @!p0 $0x0  }
0x12: {  	s1 =	sld [smem:$0x3F9D];
	s0 =	simm.s32 @p0 $0x1  }
0x13: {  	[smem:$0x3FB8] =	sst s0;
	s0 =	simm.s32 @!p1 $0x0  }
0x14: {  	s2 =	sld [smem:$0x3F9C];
	s0 =	simm.s32 @p1 $0x1  }
0x15: {  	[smem:$0x3FB9] =	sst s0;
	s0 =	simm.s32 @!p2 $0x0  }
0x16: {  	s3 =	sld [smem:$0x3FDB];
	s0 =	simm.s32 @p2 $0x1  }
0x17: {  	s4 =	simm.s32 $0x1BF5;
	[smem:$0x3FBB] =	sst s0  }
0x18: {  	s0 =	sld [smem:$0x3F9E];
	_ =	swait.ge [sflag:s4], $0x0  }
0x19: {  	s7 =	sld [smem:$0x3F9F]  }
0x1a: {  	s8 =	sadd.s32 $0xFFFFE003, lr  }
0x1b: {  	s9 =	sadd.s32 $0xFFFFFEF7, lr;
	s5 =	simm.s32 $0xFFFFFFFF;
	p2 =	slt.u32 s8, $0xFFFFF086  }
0x1c: {  	p1 =	slt.u32 s9, $0xF7A;
	s5 =	simm.s32 @!p2 $0x0  }
0x1d: {  	s5 =	simm.s32 @p1 $0x1;
	p0 =	seq.s32 s7, s2  }
0x1e: {  	s7 =	smul.u32 @!p0 $0xF7A, s2;
	p2 =	seq.s32 @!p0 s5, $0x0  }
0x1f: {  	s9 =	smul.u32 $0xF7A, s1;
	s8 =	simm.s32 @!p0 $0x1BF5;
	p2 =	por !p2, p0  }
0x20: {  	[sflag:s8] =	ssyncset.s32 @!p0 $0xFFFFF086;
	s6 =	sadd.s32 @!p0 s3, s7;
	s7 =	simm.s32 @!p0 $0x108  }
0x21: {  	s3 =	sadd.s32 s3, s9;
	s6 =	sadd.s32 @!p0 $0x88, s6;
	s7 =	simm.s32 @p2 $0x1082  }
0x22: {  	[simem:s7], [sflag:s8] =	dma.local @!p0 [hbm:s6], $0xF7A  }
0x23: {  	s9 =	sor.u32 $0xD0000000, s2;
	s6 =	simm.s32 $0x108;
	_ =	swait.ge @!p0 [sflag:s8], $0x0  }
0x24: {  	s3 =	sadd.s32 $0x88, s3;
	s6 =	simm.s32 @!p1 $0x1082;
	[sflag:s4] =	ssyncset.s32 $0xFFFFF086  }
0x25: {  	[simem:s6], [sflag:s4] =	dma.local [hbm:s3], $0xF7A  }
0x26: {  	[smem:$0x3F9F] =	sst s1;
	(tag) =	ssettag s2;
	_ =	strace s9  }
0x27: {  	s1 =	sld [smem:$0x3FAF]  }
0x28: {  	s2 =	sld [smem:$0x3FB0]  }
0x29: {  	s4 =	sld [smem:$0x3FB2]  }
0x2a: {  	p0 =	seq.s32 s5, $0x0;
	s5 =	sld [smem:$0x3FB3]  }
0x2b: {  	s6 =	sld [smem:$0x3FB4]  }
0x2c: {  	s7 =	sld [smem:$0x3FB5]  }
0x2d: {  	s3 =	simm.s32 $0x108;
	s8 =	sld [smem:$0x3FB6]  }
0x2e: {  	s3 =	simm.s32 @!p0 $0x1082;
	s9 =	sld [smem:$0x3FB7]  }
0x2f: {  	lr =	sadd.s32 s0, s3;
	s0 =	sld [smem:$0x3FAE]  }
0x30: {  	s3 =	sld [smem:$0x3FB1]  }
0x31: {  	[smem:$0x3FBA] =	sst s10  }
0x32: {  	s10 =	sld [smem:$0x3FB8];
	_ =	sdelay $0x3  }
0x33: {  	p0 =	seq.s32 s10, $0x1;
	s10 =	sld [smem:$0x3FBA];
	_ =	sdelay $0x3  }
0x34: {  	[smem:$0x3FBA] =	sst s10  }
0x35: {  	s10 =	sld [smem:$0x3FB9];
	_ =	sdelay $0x3  }
0x36: {  	p1 =	seq.s32 s10, $0x1;
	s10 =	sld [smem:$0x3FBA];
	_ =	sdelay $0x3  }
0x37: {  	[smem:$0x3FBA] =	sst s10  }
0x38: {  	s10 =	sld [smem:$0x3FBB]  }
0x39: {  	_ = 	snop;
	(pc) =	sbr.ind lr, $3  }
0x3a: {  	_ = 	snop  }
0x3b: {  	_ = 	snop  }
0x3c: {  	p2 =	seq.s32 s10, $0x1;
	s10 =	sld [smem:$0x3FBA]  }
0x3d: {  	_ =	shalt  }
0x3e: {  	_ =	shalt  }
0x3f: {  	_ =	shalt  }
0x40: {  	_ =	shalt  }
0x41: {  	_ =	shalt  }
0x42: {  	_ =	shalt  }
0x43: {  	_ =	shalt  }
0x44: {  	_ =	shalt  }
0x45: {  	_ =	shalt  }
0x46: {  	_ =	shalt  }
0x47: {  	_ =	shalt  }
0x48: {  	_ =	shalt  }
0x49: {  	_ =	shalt  }
0x4a: {  	_ =	shalt  }
0x4b: {  	_ =	shalt  }
0x4c: {  	_ =	shalt  }
0x4d: {  	_ =	shalt  }
0x4e: {  	_ =	shalt  }
0x4f: {  	_ =	shalt  }
0x50: {  	_ =	shalt  }
0x51: {  	_ =	shalt  }
0x52: {  	_ =	shalt  }
0x53: {  	_ =	shalt  }
0x54: {  	_ =	shalt  }
0x55: {  	_ =	shalt  }
0x56: {  	_ =	shalt  }
0x57: {  	_ =	shalt  }
0x58: {  	_ =	shalt  }
0x59: {  	_ =	shalt  }
0x5a: {  	_ =	shalt  }
0x5b: {  	_ =	shalt  }
0x5c: {  	_ =	shalt  }
0x5d: {  	_ =	shalt  }
0x5e: {  	_ =	shalt  }
0x5f: {  	_ =	shalt  }
0x60: {  	_ =	shalt  }
0x61: {  	_ =	shalt  }
0x62: {  	_ =	shalt  }
0x63: {  	_ =	shalt  }
0x64: {  	_ =	shalt  }
0x65: {  	_ =	shalt  }
0x66: {  	_ =	shalt  }
0x67: {  	_ =	shalt  }
0x68: {  	_ =	shalt  }
0x69: {  	_ =	shalt  }
0x6a: {  	_ =	shalt  }
0x6b: {  	_ =	shalt  }
0x6c: {  	_ =	shalt  }
0x6d: {  	_ =	shalt  }
0x6e: {  	_ =	shalt  }
0x6f: {  	_ =	shalt  }
0x70: {  	_ =	shalt  }
0x71: {  	_ =	shalt  }
0x72: {  	_ =	shalt  }
0x73: {  	_ =	shalt  }
0x74: {  	_ =	shalt  }
0x75: {  	_ =	shalt  }
0x76: {  	_ =	shalt  }
0x77: {  	_ =	shalt  }
0x78: {  	_ =	shalt  }
0x79: {  	_ =	shalt  }
0x7a: {  	_ =	shalt  }
0x7b: {  	_ =	shalt  }
0x7c: {  	_ =	shalt  }
0x7d: {  	_ =	shalt  }
0x7e: {  	_ =	shalt  }
0x7f: {  	_ =	shalt  }
0x80: {  	_ =	shalt  }
0x81: {  	_ =	shalt  }
0x82: {  	_ =	shalt  }
0x83: {  	_ =	shalt  }
0x84: {  	_ =	shalt  }
0x85: {  	_ =	shalt  }
0x86: {  	_ =	shalt  }
0x87: {  	_ =	shalt  }
.Lfunc_end0:
.L_simem_size_0:
called_computation_lowered:
.L_overlay_start_0:
0x88: {  	s2 =	sld [smem:$0x3FD9]  }
0x89: {  	s3 =	sld [smem:$0x3FFE];
	_ =	sdelay $0x1  }
0x8a: {  	s1 =	srdreg.scid  }
0x8b: {  	s0 =	sand.u32 $0x1, s1  }
0x8c: {  	s17 =	sshll.u32 s0, $0xA;
	s2 =	sadd.s32 s3, s2  }
0x8d: {  	s2 =	sadd.s32 s2, s17  }
0x8e: {  	[smem:$0x3FC6] =	sst s2  }
0x8f: {  	_ = 	snop  }
0x90: {  	s2 =	sld [smem:$0x3FD0];
	(tm) =	ssettm $0x1  }
0x91: {  	s18 =	sld [smem:$0x3FFB];
	_ =	sdelay $0x3  }
0x92: {  	_ =	strace s18  }
0x93: {  	s3 =	sld [smem:$0x3FFC];
	_ =	sdelay $0x3  }
0x94: {  	_ =	strace s3  }
0x95: {  	s3 =	sld [smem:$0x3FFD];
	_ =	sdelay $0x3  }
0x96: {  	_ =	strace s3  }
0x97: {  	_ =	strace $0x8FFFFFFF  }
0x98: {  	s19 =	sld [smem:$0x3FDB];
	_ =	sdelay $0x1  }
0x99: {  	s4 =	simm.s32 $_scs_section_size  }
0x9a: {  	s5 =	simm.s32 $_size__tile_overlayer_lowered;
	s6 =	simm.s32 $_tile_overlayer_lowered  }
0x9b: {  	s22 =	simm.s32 $0x1BFF;
	s21 =	sshll.u32 s6, $0x1;
	s3 =	sadd.s32 s4, s19  }
0x9c: {  	s7 =	simm.s32 $0x0;
	s20 =	sshll.u32 s5, $0x1;
	s5 =	sadd.s32 s21, s3  }
0x9d: {  	[timem:s7], [sflag:s22] =	dma.local [hbm:s5], s20  }
0x9e: {  	_ =	swait.ge [sflag:s22], s20  }
0x9f: {  	s4 =	ssub.s32 $0x0, s20;
	[sflag:s22] =	ssyncset.done $0x0  }
0xa0: {  	[sflag:s22] =	ssyncadd.s32 s4;
	_ =	sdelay $0x1  }
0xa1: {  	s23 =	simm.s32 $0x1B8B  }
0xa2: {  	_ =	swait.ge [sflag:s23], $0x1  }
0xa3: {  	[sflag:s23] =	ssyncset.done $0x0  }
0xa4: {  	s25 =	simm.s32 $0x1B8E;
	s24 =	sld [smem:$0x3FFE];
	[sflag:s23] =	ssyncadd.s32 $0xFFFFFFFF  }
0xa5: {  	s26 =	simm.s32 $execute0_lowered;
	[smem:$0x3FD2] =	sst s25  }
0xa6: {  	s5 =	sshll.u32 s26, $0x1;
	_ =	strace $0x80000046;
	[dreg:$0x1] =	wrdreg $0xFFFFFFFF  }
0xa7: {  	s28 =	simm.s32 $_size_execute0_lowered;
	s3 =	sadd.s32 s3, s5;
	[dreg:$0x0] =	wrdreg $0x0  }
0xa8: {  	s5 =	sshll.u32 s28, $0x1;
	[dreg:$0x2] =	wrdreg s3  }
0xa9: {  	[dreg:$0x3] =	wrdreg s5  }
0xaa: {  	[dreg:$0x4] =	wrdreg $0xC0  }
0xab: {  	_ =	task [dreg:s7], $0x5FFFF  }
0xac: {  	[dreg:$0x1] =	wrdreg $0xFFFFFFFF  }
0xad: {  	[dreg:$0x0] =	wrdreg $0x60  }
0xae: {  	[dreg:$0x2] =	wrdreg s24  }
0xaf: {  	[dreg:$0x3] =	wrdreg s2  }
0xb0: {  	[dreg:$0x4] =	wrdreg $0x9  }
0xb1: {  	_ =	task.clear_ibuf [dreg:s7], $0x5FFFF;
	_ =	strace $0x90000046  }
0xb2: {  	s29 =	simm.s32 $0x9;
	_ =	strace $0x80000048  }
0xb3: {  	_ =	swait.ge [sflag:s29], $0x1  }
0xb4: {  	[sflag:s29] =	ssyncadd.s32 $0xFFFFFFFF  }
0xb5: {  	_ =	strace $0x90000048  }
0xb6: {  	_ =	sfence  }
0xb7: {  	s30 =	sld [smem:$0x0];
	_ =	sdelay $0x2  }
0xb8: {  	s31 =	sshll.u32 s1, $0xD;
	s1 =	sshrl.u32 s1, $0x2  }
0xb9: {  	s3 =	sand.u32 $0x4000, s31;
	s1 =	sadd.s32 s1, s30  }
0xba: {  	s0 =	sor.u32 s3, s0;
	s1 =	sshll.u32 s1, $0x11  }
0xbb: {  	s0 =	sor.u32 s1, s0  }
0xbc: {  	s0 =	sadd.s32 $0x8F2B, s0  }
0xbd: {  	[sflag:s0] =	ssyncadd.remote.s32 $0x1  }
0xbe: {  	_ =	sfence.sel $0xFFFF  }
0xbf: {  	[dreg:$0x0] =	wrdreg $0xFFFFFFFF;
	(pc) =	sbr.abs _section_cstart, $3  }
0xc0: {  	[dreg:$0x1] =	wrdreg $0xFFFFFFFF  }
0xc1: {  	_ =	task.clear_ibuf [dreg:s7], $0x2FFFF;
	_ =	strace $0x9FFFFFFF  }
0xc2: {  	(tm) =	ssettm $0x7FFFFFFF  }
0xc3: {  	_ =	shalt  }
tec
execute0_lowered:
.L_overlay_start_1:
0x0: {  	(tag) =	ssettag $0x1  }
0x1: {  	s0 =	srdreg.scid;
	s3 =	rddreg [dreg:$0x0]  }
0x2: {  	s1 =	stileid.u32;
	s4 =	rddreg [dreg:$0x1];
	s2 =	simm.s32 $0x0  }
0x3: {  	s28 =	simm.s32 $0x11;
	s23 =	simm.s32 $0x1A0;
	s21 =	simm.s32 $0xD00  }
0x4: {  	s19 =	simm.s32 $0x340;
	s22 =	simm.s32 $0x4E0;
	s24 =	simm.s32 $0x680  }
0x5: {  	s25 =	simm.s32 $0x820;
	s26 =	simm.s32 $0x9C0;
	s8 =	simm.s32 $0x14500  }
0x6: {  	s30 =	simm.s32 $0x1;
	s29 =	simm.s32 $0x2;
	[smem:$0x7FF] =	sst s2  }
0x7: {  	s10 =	simm.s32 $0xA;
	_ =	strace $0x80000047;
	[dreg:$0xc] =	wrdreg s19  }
0x8: {  	p0 =	por $0x0, $0x0;
	s9 =	simm.s32 $0xC;
	[dreg:$0xd] =	wrdreg s22  }
0x9: {  	s7 =	simm.s32 $0xD;
	s0 =	sand.u32 $0x1, s0;
	[dreg:$0xe] =	wrdreg s24  }
0xa: {  	s1 =	sshll.u32 s1, $0x1;
	s20 =	sadd.s32 $0xF42A00, s3;
	[dreg:$0xf] =	wrdreg s25  }
0xb: {  	s1 =	sor.u32 s0, s1;
	s0 =	ssub.s32 $0x2, s0;
	[dreg:$0x10] =	wrdreg s26  }
0xc: {  	s26 =	simm.s32 $0x3;
	s25 =	simm.s32 $0x4;
	s5 =	smul.u32 $0x1A0, s1  }
0xd: {  	s24 =	simm.s32 $0x5;
	s22 =	simm.s32 $0x6;
	s6 =	smul.u32 $0x1A000, s1  }
0xe: {  	s19 =	simm.s32 $0x7;
	s1 =	smul.u32 $0x3400, s1;
	s17 =	sshrl.u32 s0, $0x1  }
0xf: {  	s0 =	ssub.s32 s0, s17;
	s17 =	simm.s32 $0x7500;
	s5 =	sadd.s32 s5, s3  }
0x10: {  	s6 =	sshrl.u32 s6, $0x3;
	s1 =	sadd.s32 s4, s1;
	s0 =	smax.u32 s0, $0x1  }
0x11: {  	s5 =	sadd.s32 $0x600, s5;
	s4 =	sadd.s32 s4, s6;
	[dreg:$0x4] =	wrdreg s1  }
0x12: {  	s3 =	simm.s32 $0x10;
	[dreg:$0x3] =	wrdreg s5;
	s11 =	sadd.s32 $0x680, s4  }
0x13: {  	s6 =	simm.s32 $0x17900;
	s12 =	sadd.s32 $0xD00, s4;
	[dreg:$0x5] =	wrdreg s11  }
0x14: {  	p1 =	sne.s32 s0, $0x1;
	s13 =	sadd.s32 $0x1380, s4;
	[dreg:$0x6] =	wrdreg s12  }
0x15: {  	s31 =	sadd.s32 $0xFFFFFFFF, s0;
	s14 =	sadd.s32 $0x1A00, s4;
	[dreg:$0x7] =	wrdreg s13  }
0x16: {  	s15 =	sadd.s32 $0x2080, s4;
	s16 =	sadd.s32 $0x2700, s4;
	[dreg:$0x8] =	wrdreg s14  }
.Ltmp0:
0x17: {  	s18 =	sadd.s32 $0x2D80, s4;
	[dreg:$0x9] =	wrdreg s15;
	(pc) =	sbr.rel @!p1 .LBB2_1-.Ltmp0, $4  }
0x18: {  	s5 =	simm.s32 $0xE;
	s4 =	simm.s32 $0xF;
	[dreg:$0xa] =	wrdreg s16  }
0x19: {  	[dreg:$0xb] =	wrdreg s18;
	s18 =	simm.s32 $0x4100;
	s15 =	simm.s32 $0xA900  }
0x1a: {  	s14 =	simm.s32 $0xDD00;
	s11 =	simm.s32 $0x11100;
	s16 =	simm.s32 $0x8  }
0x1b: {  	s13 =	simm.s32 $0x9;
	s12 =	simm.s32 $0xB;
	s0 =	rddreg [dreg:$0x3]  }
0x1c: {  	[tilespmem:s2], [sflag:$0x11] =	stream.linear.gather [hbm4b:s0+s2], $0xD00, $0x38;
	[tilespmem:$0x1AD00] =	vst v63  }
0x1d: {  	_ =	swait.ge [sflag:s28], $0xD00  }
0x1e: {  	[sflag:s28] =	ssyncset.done $0x0  }
0x1f: {  	[sflag:s28] =	ssyncadd.s32 $0xFFFFF300  }
0x20: {  	[tilespmem:s21], [sflag:$0x1] =	stream.indirect.gather [hbm4b:s20+s23], $0x20, s2, s23, $0xb8;
	[tilespmem:$0x1AD00] =	vst v63  }
0x21: {  	_ = 	snop  }
0x22: {  	[tilespmem:s18], [sflag:$0x2] =	stream.indirect.gather [hbm4b:s20+s23], $0x20, s23, s23, $0xb8;
	[tilespmem:$0x1AD00] =	vst v63  }
0x23: {  	s0 =	rddreg [dreg:$0xc]  }
0x24: {  	[tilespmem:s17], [sflag:$0x3] =	stream.indirect.gather [hbm4b:s20+s23], $0x20, s0, s23, $0xb8;
	[tilespmem:$0x1AD00] =	vst v63  }
0x25: {  	s1 =	rddreg [dreg:$0xd]  }
0x26: {  	[tilespmem:s15], [sflag:$0x4] =	stream.indirect.gather [hbm4b:s20+s23], $0x20, s1, s23, $0xb8;
	[tilespmem:$0x1AD00] =	vst v63  }
0x27: {  	s0 =	rddreg [dreg:$0xe]  }
0x28: {  	[tilespmem:s14], [sflag:$0x5] =	stream.indirect.gather [hbm4b:s20+s23], $0x20, s0, s23, $0xb8;
	[tilespmem:$0x1AD00] =	vst v63  }
0x29: {  	s1 =	rddreg [dreg:$0xf]  }
0x2a: {  	[tilespmem:s11], [sflag:$0x6] =	stream.indirect.gather [hbm4b:s20+s23], $0x20, s1, s23, $0xb8;
	[tilespmem:$0x1AD00] =	vst v63  }
0x2b: {  	s0 =	rddreg [dreg:$0x10]  }
0x2c: {  	[tilespmem:s8], [sflag:$0x7] =	stream.indirect.gather [hbm4b:s20+s23], $0x20, s0, s23, $0xb8;
	[tilespmem:$0x1AD00] =	vst v63  }
0x2d: {  	s1 =	simm.s32 $0xB60  }
0x2e: {  	[tilespmem:s6], [sflag:$0x8] =	stream.indirect.gather [hbm4b:s20+s23], $0x20, s1, s23, $0xb8;
	[tilespmem:$0x1AD00] =	vst v63  }
0x2f: {  	_ =	swait.ge [sflag:s30], $0x3400  }
0x30: {  	[sflag:s30] =	ssyncset.done $0x0  }
0x31: {  	s1 =	rddreg [dreg:$0x4];
	[sflag:s30] =	ssyncadd.s32 $0xFFFFCC00  }
0x32: {  	[hbm4b:s1+s2] =	stream.linear.scatter [tilespmem:s21], [sflag:$0x9], $0x3400, $0x38;
	[tilespmem:$0x1AD00] =	vst v63  }
0x33: {  	_ =	swait.ge [sflag:s29], $0x3400  }
0x34: {  	[sflag:s29] =	ssyncset.done $0x0  }
0x35: {  	s1 =	rddreg [dreg:$0x5];
	[sflag:s29] =	ssyncadd.s32 $0xFFFFCC00  }
0x36: {  	[hbm4b:s1+s2] =	stream.linear.scatter [tilespmem:s18], [sflag:$0xA], $0x3400, $0x38;
	[tilespmem:$0x1AD00] =	vst v63  }
0x37: {  	_ =	swait.ge [sflag:s26], $0x3400  }
0x38: {  	[sflag:s26] =	ssyncset.done $0x0  }
0x39: {  	s1 =	rddreg [dreg:$0x6];
	[sflag:s26] =	ssyncadd.s32 $0xFFFFCC00  }
0x3a: {  	[hbm4b:s1+s2] =	stream.linear.scatter [tilespmem:s17], [sflag:$0xB], $0x3400, $0x38;
	[tilespmem:$0x1AD00] =	vst v63  }
0x3b: {  	_ =	swait.ge [sflag:s25], $0x3400  }
0x3c: {  	[sflag:s25] =	ssyncset.done $0x0  }
0x3d: {  	s1 =	rddreg [dreg:$0x7];
	[sflag:s25] =	ssyncadd.s32 $0xFFFFCC00  }
0x3e: {  	[hbm4b:s1+s2] =	stream.linear.scatter [tilespmem:s15], [sflag:$0xC], $0x3400, $0x38;
	[tilespmem:$0x1AD00] =	vst v63  }
0x3f: {  	_ =	swait.ge [sflag:s24], $0x3400  }
0x40: {  	[sflag:s24] =	ssyncset.done $0x0  }
0x41: {  	s1 =	rddreg [dreg:$0x8];
	[sflag:s24] =	ssyncadd.s32 $0xFFFFCC00  }
0x42: {  	[hbm4b:s1+s2] =	stream.linear.scatter [tilespmem:s14], [sflag:$0xD], $0x3400, $0x38;
	[tilespmem:$0x1AD00] =	vst v63  }
0x43: {  	_ =	swait.ge [sflag:s22], $0x3400  }
0x44: {  	[sflag:s22] =	ssyncset.done $0x0  }
0x45: {  	s1 =	rddreg [dreg:$0x9];
	[sflag:s22] =	ssyncadd.s32 $0xFFFFCC00  }
0x46: {  	[hbm4b:s1+s2] =	stream.linear.scatter [tilespmem:s11], [sflag:$0xE], $0x3400, $0x38;
	[tilespmem:$0x1AD00] =	vst v63  }
0x47: {  	_ =	swait.ge [sflag:s19], $0x3400  }
0x48: {  	[sflag:s19] =	ssyncset.done $0x0  }
0x49: {  	s1 =	rddreg [dreg:$0xa];
	[sflag:s19] =	ssyncadd.s32 $0xFFFFCC00  }
0x4a: {  	[hbm4b:s1+s2] =	stream.linear.scatter [tilespmem:s8], [sflag:$0xF], $0x3400, $0x38;
	[tilespmem:$0x1AD00] =	vst v63  }
0x4b: {  	_ =	swait.ge [sflag:s16], $0x3400  }
0x4c: {  	[sflag:s16] =	ssyncset.done $0x0  }
0x4d: {  	s1 =	rddreg [dreg:$0xb];
	[sflag:s16] =	ssyncadd.s32 $0xFFFFCC00  }
0x4e: {  	[hbm4b:s1+s2] =	stream.linear.scatter [tilespmem:s6], [sflag:$0x10], $0x3400, $0x38;
	[tilespmem:$0x1AD00] =	vst v63  }
0x4f: {  	_ =	swait.ge [sflag:s13], $0x3400  }
0x50: {  	[sflag:s13] =	ssyncset.done $0x0  }
0x51: {  	[sflag:s13] =	ssyncadd.s32 $0xFFFFCC00  }
0x52: {  	_ =	swait.ge [sflag:s10], $0x3400  }
0x53: {  	[sflag:s10] =	ssyncset.done $0x0  }
0x54: {  	[sflag:s10] =	ssyncadd.s32 $0xFFFFCC00  }
0x55: {  	_ =	swait.ge [sflag:s12], $0x3400  }
0x56: {  	[sflag:s12] =	ssyncset.done $0x0  }
0x57: {  	[sflag:s12] =	ssyncadd.s32 $0xFFFFCC00  }
0x58: {  	_ =	swait.ge [sflag:s9], $0x3400  }
0x59: {  	[sflag:s9] =	ssyncset.done $0x0  }
0x5a: {  	[sflag:s9] =	ssyncadd.s32 $0xFFFFCC00  }
0x5b: {  	_ =	swait.ge [sflag:s7], $0x3400  }
0x5c: {  	[sflag:s7] =	ssyncset.done $0x0  }
0x5d: {  	[sflag:s7] =	ssyncadd.s32 $0xFFFFCC00  }
0x5e: {  	_ =	swait.ge [sflag:s5], $0x3400  }
0x5f: {  	[sflag:s5] =	ssyncset.done $0x0  }
0x60: {  	p1 =	sne.s32 s31, $0x1;
	[sflag:s5] =	ssyncadd.s32 $0xFFFFCC00  }
.Ltmp1:
0x61: {  	_ =	swait.ge [sflag:s4], $0x3400;
	(pc) =	sbr.rel @!p1 .LBB2_3-.Ltmp1, $4  }
0x62: {  	[sflag:s4] =	ssyncset.done $0x0  }
0x63: {  	[sflag:s4] =	ssyncadd.s32 $0xFFFFCC00  }
0x64: {  	p0 =	por $0x1, $0x1;
	_ =	swait.ge [sflag:s3], $0x3400  }
0x65: {  	s1 =	sadd.s32 $0xFFFFFFFF, s31;
	s0 =	rddreg [dreg:$0x3];
	[sflag:s3] =	ssyncset.done $0x0  }
.LBB2_4:
0x66: {  	[sflag:s3] =	ssyncadd.s32 $0xFFFFCC00  }
0x67: {  	[tilespmem:s2], [sflag:$0x11] =	stream.linear.gather [hbm4b:s0+s2], $0xD00, $0x38;
	[tilespmem:$0x1AD00] =	vst v63  }
0x68: {  	_ =	swait.ge [sflag:s28], $0xD00  }
0x69: {  	[sflag:s28] =	ssyncset.done $0x0  }
0x6a: {  	[sflag:s28] =	ssyncadd.s32 $0xFFFFF300  }
0x6b: {  	[tilespmem:s21], [sflag:$0x1] =	stream.indirect.gather [hbm4b:s20+s23], $0x20, s2, s23, $0xb8;
	[tilespmem:$0x1AD00] =	vst v63  }
0x6c: {  	_ = 	snop  }
0x6d: {  	[tilespmem:s18], [sflag:$0x2] =	stream.indirect.gather [hbm4b:s20+s23], $0x20, s23, s23, $0xb8;
	[tilespmem:$0x1AD00] =	vst v63  }
0x6e: {  	s0 =	rddreg [dreg:$0xc]  }
0x6f: {  	[tilespmem:s17], [sflag:$0x3] =	stream.indirect.gather [hbm4b:s20+s23], $0x20, s0, s23, $0xb8;
	[tilespmem:$0x1AD00] =	vst v63  }
0x70: {  	s31 =	rddreg [dreg:$0xd]  }
0x71: {  	[tilespmem:s15], [sflag:$0x4] =	stream.indirect.gather [hbm4b:s20+s23], $0x20, s31, s23, $0xb8;
	[tilespmem:$0x1AD00] =	vst v63  }
0x72: {  	s0 =	rddreg [dreg:$0xe]  }
0x73: {  	[tilespmem:s14], [sflag:$0x5] =	stream.indirect.gather [hbm4b:s20+s23], $0x20, s0, s23, $0xb8;
	[tilespmem:$0x1AD00] =	vst v63  }
0x74: {  	s31 =	rddreg [dreg:$0xf]  }
0x75: {  	[tilespmem:s11], [sflag:$0x6] =	stream.indirect.gather [hbm4b:s20+s23], $0x20, s31, s23, $0xb8;
	[tilespmem:$0x1AD00] =	vst v63  }
0x76: {  	s0 =	rddreg [dreg:$0x10]  }
0x77: {  	[tilespmem:s8], [sflag:$0x7] =	stream.indirect.gather [hbm4b:s20+s23], $0x20, s0, s23, $0xb8;
	[tilespmem:$0x1AD00] =	vst v63  }
0x78: {  	s31 =	simm.s32 $0xB60  }
0x79: {  	[tilespmem:s6], [sflag:$0x8] =	stream.indirect.gather [hbm4b:s20+s23], $0x20, s31, s23, $0xb8;
	[tilespmem:$0x1AD00] =	vst v63  }
0x7a: {  	_ =	swait.ge [sflag:s30], $0x3400  }
0x7b: {  	[sflag:s30] =	ssyncset.done $0x0  }
0x7c: {  	s31 =	rddreg [dreg:$0x4];
	[sflag:s30] =	ssyncadd.s32 $0xFFFFCC00  }
0x7d: {  	[hbm4b:s31+s2] =	stream.linear.scatter [tilespmem:s21], [sflag:$0x9], $0x3400, $0x38;
	[tilespmem:$0x1AD00] =	vst v63  }
0x7e: {  	_ =	swait.ge [sflag:s29], $0x3400  }
0x7f: {  	[sflag:s29] =	ssyncset.done $0x0  }
0x80: {  	s31 =	rddreg [dreg:$0x5];
	[sflag:s29] =	ssyncadd.s32 $0xFFFFCC00  }
0x81: {  	[hbm4b:s31+s2] =	stream.linear.scatter [tilespmem:s18], [sflag:$0xA], $0x3400, $0x38;
	[tilespmem:$0x1AD00] =	vst v63  }
0x82: {  	_ =	swait.ge [sflag:s26], $0x3400  }
0x83: {  	[sflag:s26] =	ssyncset.done $0x0  }
0x84: {  	s31 =	rddreg [dreg:$0x6];
	[sflag:s26] =	ssyncadd.s32 $0xFFFFCC00  }
0x85: {  	[hbm4b:s31+s2] =	stream.linear.scatter [tilespmem:s17], [sflag:$0xB], $0x3400, $0x38;
	[tilespmem:$0x1AD00] =	vst v63  }
0x86: {  	_ =	swait.ge [sflag:s25], $0x3400  }
0x87: {  	[sflag:s25] =	ssyncset.done $0x0  }
0x88: {  	s31 =	rddreg [dreg:$0x7];
	[sflag:s25] =	ssyncadd.s32 $0xFFFFCC00  }
0x89: {  	[hbm4b:s31+s2] =	stream.linear.scatter [tilespmem:s15], [sflag:$0xC], $0x3400, $0x38;
	[tilespmem:$0x1AD00] =	vst v63  }
0x8a: {  	_ =	swait.ge [sflag:s24], $0x3400  }
0x8b: {  	[sflag:s24] =	ssyncset.done $0x0  }
0x8c: {  	s31 =	rddreg [dreg:$0x8];
	[sflag:s24] =	ssyncadd.s32 $0xFFFFCC00  }
0x8d: {  	[hbm4b:s31+s2] =	stream.linear.scatter [tilespmem:s14], [sflag:$0xD], $0x3400, $0x38;
	[tilespmem:$0x1AD00] =	vst v63  }
0x8e: {  	_ =	swait.ge [sflag:s22], $0x3400  }
0x8f: {  	[sflag:s22] =	ssyncset.done $0x0  }
0x90: {  	s31 =	rddreg [dreg:$0x9];
	[sflag:s22] =	ssyncadd.s32 $0xFFFFCC00  }
0x91: {  	[hbm4b:s31+s2] =	stream.linear.scatter [tilespmem:s11], [sflag:$0xE], $0x3400, $0x38;
	[tilespmem:$0x1AD00] =	vst v63  }
0x92: {  	_ =	swait.ge [sflag:s19], $0x3400  }
0x93: {  	[sflag:s19] =	ssyncset.done $0x0  }
0x94: {  	s31 =	rddreg [dreg:$0xa];
	[sflag:s19] =	ssyncadd.s32 $0xFFFFCC00  }
0x95: {  	[hbm4b:s31+s2] =	stream.linear.scatter [tilespmem:s8], [sflag:$0xF], $0x3400, $0x38;
	[tilespmem:$0x1AD00] =	vst v63  }
0x96: {  	_ =	swait.ge [sflag:s16], $0x3400  }
0x97: {  	[sflag:s16] =	ssyncset.done $0x0  }
0x98: {  	s31 =	rddreg [dreg:$0xb];
	[sflag:s16] =	ssyncadd.s32 $0xFFFFCC00  }
0x99: {  	[hbm4b:s31+s2] =	stream.linear.scatter [tilespmem:s6], [sflag:$0x10], $0x3400, $0x38;
	[tilespmem:$0x1AD00] =	vst v63  }
0x9a: {  	_ =	swait.ge [sflag:s13], $0x3400  }
0x9b: {  	[sflag:s13] =	ssyncset.done $0x0  }
0x9c: {  	[sflag:s13] =	ssyncadd.s32 $0xFFFFCC00  }
0x9d: {  	_ =	swait.ge [sflag:s10], $0x3400  }
0x9e: {  	[sflag:s10] =	ssyncset.done $0x0  }
0x9f: {  	[sflag:s10] =	ssyncadd.s32 $0xFFFFCC00  }
0xa0: {  	_ =	swait.ge [sflag:s12], $0x3400  }
0xa1: {  	[sflag:s12] =	ssyncset.done $0x0  }
0xa2: {  	[sflag:s12] =	ssyncadd.s32 $0xFFFFCC00  }
0xa3: {  	_ =	swait.ge [sflag:s9], $0x3400  }
0xa4: {  	[sflag:s9] =	ssyncset.done $0x0  }
0xa5: {  	[sflag:s9] =	ssyncadd.s32 $0xFFFFCC00  }
0xa6: {  	_ =	swait.ge [sflag:s7], $0x3400  }
0xa7: {  	[sflag:s7] =	ssyncset.done $0x0  }
0xa8: {  	[sflag:s7] =	ssyncadd.s32 $0xFFFFCC00  }
0xa9: {  	_ =	swait.ge [sflag:s5], $0x3400  }
0xaa: {  	[sflag:s5] =	ssyncset.done $0x0  }
0xab: {  	p1 =	sne.s32 s1, $0x1;
	[sflag:s5] =	ssyncadd.s32 $0xFFFFCC00  }
.Ltmp2:
0xac: {  	_ =	swait.ge [sflag:s4], $0x3400;
	(pc) =	sbr.rel @p1 .LBB2_4-.Ltmp2, $4  }
0xad: {  	[sflag:s4] =	ssyncset.done $0x0  }
0xae: {  	[sflag:s4] =	ssyncadd.s32 $0xFFFFCC00  }
0xaf: {  	_ =	swait.ge [sflag:s3], $0x3400  }
0xb0: {  	s1 =	sadd.s32 $0xFFFFFFFF, s1;
	s0 =	rddreg [dreg:$0x3];
	[sflag:s3] =	ssyncset.done $0x0  }
0xb1: {  	s31 =	simm.s32 $0xB60  }
.LBB2_6:
0xb2: {  	[sflag:s3] =	ssyncadd.s32 @p0 $0xFFFFCC00  }
0xb3: {  	[tilespmem:s2], [sflag:$0x11] =	stream.linear.gather [hbm4b:s0+s2], $0xD00, $0x38;
	[tilespmem:$0x1AD00] =	vst v63  }
0xb4: {  	_ =	swait.ge [sflag:s28], $0xD00  }
0xb5: {  	[sflag:s28] =	ssyncset.done $0x0  }
0xb6: {  	[sflag:s28] =	ssyncadd.s32 $0xFFFFF300  }
0xb7: {  	[tilespmem:s21], [sflag:$0x1] =	stream.indirect.gather [hbm4b:s20+s23], $0x20, s2, s23, $0xb8;
	[tilespmem:$0x1AD00] =	vst v63  }
0xb8: {  	_ = 	snop  }
0xb9: {  	[tilespmem:s18], [sflag:$0x2] =	stream.indirect.gather [hbm4b:s20+s23], $0x20, s23, s23, $0xb8;
	[tilespmem:$0x1AD00] =	vst v63  }
0xba: {  	s28 =	rddreg [dreg:$0xc]  }
0xbb: {  	[tilespmem:s17], [sflag:$0x3] =	stream.indirect.gather [hbm4b:s20+s23], $0x20, s28, s23, $0xb8;
	[tilespmem:$0x1AD00] =	vst v63  }
0xbc: {  	s1 =	rddreg [dreg:$0xd]  }
0xbd: {  	[tilespmem:s15], [sflag:$0x4] =	stream.indirect.gather [hbm4b:s20+s23], $0x20, s1, s23, $0xb8;
	[tilespmem:$0x1AD00] =	vst v63  }
0xbe: {  	s28 =	rddreg [dreg:$0xe]  }
0xbf: {  	[tilespmem:s14], [sflag:$0x5] =	stream.indirect.gather [hbm4b:s20+s23], $0x20, s28, s23, $0xb8;
	[tilespmem:$0x1AD00] =	vst v63  }
0xc0: {  	s1 =	rddreg [dreg:$0xf]  }
0xc1: {  	[tilespmem:s11], [sflag:$0x6] =	stream.indirect.gather [hbm4b:s20+s23], $0x20, s1, s23, $0xb8;
	[tilespmem:$0x1AD00] =	vst v63  }
0xc2: {  	s28 =	rddreg [dreg:$0x10]  }
0xc3: {  	[tilespmem:s8], [sflag:$0x7] =	stream.indirect.gather [hbm4b:s20+s23], $0x20, s28, s23, $0xb8;
	[tilespmem:$0x1AD00] =	vst v63  }
0xc4: {  	_ = 	snop  }
0xc5: {  	[tilespmem:s6], [sflag:$0x8] =	stream.indirect.gather [hbm4b:s20+s23], $0x20, s31, s23, $0xb8;
	[tilespmem:$0x1AD00] =	vst v63  }
0xc6: {  	_ =	swait.ge [sflag:s30], $0x3400  }
0xc7: {  	[sflag:s30] =	ssyncset.done $0x0  }
0xc8: {  	s1 =	rddreg [dreg:$0x4];
	[sflag:s30] =	ssyncadd.s32 $0xFFFFCC00  }
0xc9: {  	[hbm4b:s1+s2] =	stream.linear.scatter [tilespmem:s21], [sflag:$0x9], $0x3400, $0x38;
	[tilespmem:$0x1AD00] =	vst v63  }
0xca: {  	_ =	swait.ge [sflag:s29], $0x3400  }
0xcb: {  	[sflag:s29] =	ssyncset.done $0x0  }
0xcc: {  	s20 =	rddreg [dreg:$0x5];
	[sflag:s29] =	ssyncadd.s32 $0xFFFFCC00  }
0xcd: {  	[hbm4b:s20+s2] =	stream.linear.scatter [tilespmem:s18], [sflag:$0xA], $0x3400, $0x38;
	[tilespmem:$0x1AD00] =	vst v63  }
0xce: {  	_ =	swait.ge [sflag:s26], $0x3400  }
0xcf: {  	[sflag:s26] =	ssyncset.done $0x0  }
0xd0: {  	s21 =	rddreg [dreg:$0x6];
	[sflag:s26] =	ssyncadd.s32 $0xFFFFCC00  }
0xd1: {  	[hbm4b:s21+s2] =	stream.linear.scatter [tilespmem:s17], [sflag:$0xB], $0x3400, $0x38;
	[tilespmem:$0x1AD00] =	vst v63  }
0xd2: {  	_ =	swait.ge [sflag:s25], $0x3400  }
0xd3: {  	[sflag:s25] =	ssyncset.done $0x0  }
0xd4: {  	s23 =	rddreg [dreg:$0x7];
	[sflag:s25] =	ssyncadd.s32 $0xFFFFCC00  }
0xd5: {  	[hbm4b:s23+s2] =	stream.linear.scatter [tilespmem:s15], [sflag:$0xC], $0x3400, $0x38;
	[tilespmem:$0x1AD00] =	vst v63  }
0xd6: {  	_ =	swait.ge [sflag:s24], $0x3400  }
0xd7: {  	[sflag:s24] =	ssyncset.done $0x0  }
0xd8: {  	s26 =	rddreg [dreg:$0x8];
	[sflag:s24] =	ssyncadd.s32 $0xFFFFCC00  }
0xd9: {  	[hbm4b:s26+s2] =	stream.linear.scatter [tilespmem:s14], [sflag:$0xD], $0x3400, $0x38;
	[tilespmem:$0x1AD00] =	vst v63  }
0xda: {  	_ =	swait.ge [sflag:s22], $0x3400  }
0xdb: {  	[sflag:s22] =	ssyncset.done $0x0  }
0xdc: {  	s28 =	rddreg [dreg:$0x9];
	[sflag:s22] =	ssyncadd.s32 $0xFFFFCC00  }
0xdd: {  	[hbm4b:s28+s2] =	stream.linear.scatter [tilespmem:s11], [sflag:$0xE], $0x3400, $0x38;
	[tilespmem:$0x1AD00] =	vst v63  }
0xde: {  	_ =	swait.ge [sflag:s19], $0x3400  }
0xdf: {  	[sflag:s19] =	ssyncset.done $0x0  }
0xe0: {  	s29 =	rddreg [dreg:$0xa];
	[sflag:s19] =	ssyncadd.s32 $0xFFFFCC00  }
0xe1: {  	[hbm4b:s29+s2] =	stream.linear.scatter [tilespmem:s8], [sflag:$0xF], $0x3400, $0x38;
	[tilespmem:$0x1AD00] =	vst v63  }
0xe2: {  	_ =	swait.ge [sflag:s16], $0x3400  }
0xe3: {  	[sflag:s16] =	ssyncset.done $0x0  }
0xe4: {  	s30 =	rddreg [dreg:$0xb];
	[sflag:s16] =	ssyncadd.s32 $0xFFFFCC00  }
0xe5: {  	[hbm4b:s30+s2] =	stream.linear.scatter [tilespmem:s6], [sflag:$0x10], $0x3400, $0x38;
	[tilespmem:$0x1AD00] =	vst v63  }
0xe6: {  	_ =	swait.ge [sflag:s13], $0x3400  }
0xe7: {  	[sflag:s13] =	ssyncset.done $0x0  }
0xe8: {  	[sflag:s13] =	ssyncadd.s32 $0xFFFFCC00  }
0xe9: {  	_ =	swait.ge [sflag:s10], $0x3400  }
0xea: {  	[sflag:s10] =	ssyncset.done $0x0  }
0xeb: {  	[sflag:s10] =	ssyncadd.s32 $0xFFFFCC00  }
0xec: {  	_ =	swait.ge [sflag:s12], $0x3400  }
0xed: {  	[sflag:s12] =	ssyncset.done $0x0  }
0xee: {  	[sflag:s12] =	ssyncadd.s32 $0xFFFFCC00  }
0xef: {  	_ =	swait.ge [sflag:s9], $0x3400  }
0xf0: {  	[sflag:s9] =	ssyncset.done $0x0  }
0xf1: {  	[sflag:s9] =	ssyncadd.s32 $0xFFFFCC00  }
0xf2: {  	_ =	swait.ge [sflag:s7], $0x3400  }
0xf3: {  	[sflag:s7] =	ssyncset.done $0x0  }
0xf4: {  	[sflag:s7] =	ssyncadd.s32 $0xFFFFCC00  }
0xf5: {  	_ =	swait.ge [sflag:s5], $0x3400  }
0xf6: {  	[sflag:s5] =	ssyncset.done $0x0  }
0xf7: {  	[sflag:s5] =	ssyncadd.s32 $0xFFFFCC00  }
0xf8: {  	_ =	swait.ge [sflag:s4], $0x3400  }
0xf9: {  	[sflag:s4] =	ssyncset.done $0x0  }
0xfa: {  	[sflag:s4] =	ssyncadd.s32 $0xFFFFCC00  }
0xfb: {  	_ =	swait.ge [sflag:s3], $0x3400  }
0xfc: {  	[sflag:s3] =	ssyncset.done $0x0  }
0xfd: {  	[sflag:s3] =	ssyncadd.s32 $0xFFFFCC00  }
0xfe: {  	_ =	sfence.sel $0x180000  }
0xff: {  	[bflag:$0x0] =	sbarrier.arrive $0xFFFF  }
0x100: {  	_ =	strace $0x90000047  }
0x101: {  	s31 =	stileid.u32;
	[bflag:$0x2] =	sbarrier.arrive $0xFFFF  }
0x102: {  	p0 =	sne.s32 s31, $0x0;
	s0 =	rddreg [dreg:$0x2]  }
0x103: {  	s0 =	sadd.s32 @!p0 $0x100000, s0  }
0x104: {  	[sflag:s0] =	ssyncadd.tile.s32 @!p0 $0x1;
	_ =	shalt  }
.LBB2_1:
.Ltmp3:
0x105: {  	(pc) =	sbr.rel .LBB2_6-.Ltmp3, $2  }
0x106: {  	_ =	sdelay $0x2  }
0x107: {  	s31 =	simm.s32 $0xB60  }
.LBB2_3:
.Ltmp4:
0x108: {  	(pc) =	sbr.rel .LBB2_6-.Ltmp4, $2  }
0x109: {  	_ =	sdelay $0x2  }
0x10a: {  	s31 =	simm.s32 $0xB60  }
.Lfunc_end2:
_tile_overlayer_lowered:
.L_overlay_start_2:
0x10b: {  	(tag) =	ssettag $0x2  }
0x10c: {  	s0 =	rddreg [dreg:$0x0];
	s2 =	stileid.u32  }
0x10d: {  	s1 =	rddreg [dreg:$0x1];
	p0 =	sne.s32 s2, $0x0  }
0x10e: {  	s3 =	rddreg [dreg:$0x2];
	[bflag:$0x3] =	sbarrier.arrive $0xFFFF;
	s2 =	simm.s32 @!p0 $0x1C11  }
0x10f: {  	[timem:s3], [sflag:s2] =	dma.local @!p0 [hbm:s0], s1  }
0x110: {  	s0 =	simm.s32 @!p0 $0x11  }
0x111: {  	_ =	swait.ge @!p0 [sflag:s0], s1  }
0x112: {  	s1 =	ssub.s32 @!p0 $0x0, s1;
	[sflag:s0] =	ssyncset.done @!p0 $0x0  }
0x113: {  	[sflag:s0] =	ssyncadd.s32 @!p0 s1  }
0x114: {  	[bflag:$0x3] =	sbarrier.arrive $0xFFFF  }
0x115: {  	_ =	shalt  }

</sc_bundles>
